<compile_context>
chip_gen: v7x
topology: tpu7x:2x2x1
jax: 0.10.2.dev20260603
libtpu: 0.0.44.dev20260713+nightly
codegen_flags: <defaults>
</compile_context>

<pallas_src>
import functools

import jax
import jax.numpy as jnp
from jax import lax
from jax.experimental import pallas as pl
from jax.experimental.pallas import tpu as pltpu
from jax.experimental.pallas import tpu_sc as plsc

B = 16
C = 3
N = 8192
M = 1024
L = 16
H = N // 2


def _fps_body(x_hbm, y_hbm, xs_v, ys_v, zs_v, xh_v, yh_v, zh_v,
              dist_v, idx_v, ox_v, oy_v, oz_v, mb_v, mi_v, pb_v, pi_v,
              sh_ex):
    cid = lax.axis_index("c")
    sid = lax.axis_index("s")
    batch = cid * 8 + sid // 2
    half = sid % 2
    off = half * H

    row = batch * C
    pltpu.sync_copy(x_hbm.at[row + 0], xs_v)
    pltpu.sync_copy(x_hbm.at[row + 1], ys_v)
    pltpu.sync_copy(x_hbm.at[row + 2], zs_v)
    pltpu.sync_copy(x_hbm.at[row + 0, pl.ds(off, H)], xh_v)
    pltpu.sync_copy(x_hbm.at[row + 1, pl.ds(off, H)], yh_v)
    pltpu.sync_copy(x_hbm.at[row + 2, pl.ds(off, H)], zh_v)

    inf16 = jnp.full((L,), jnp.inf, jnp.float32)

    def init_j(j, carry):
        dist_v[pl.ds(j * L, L)] = inf16
        return carry

    lax.fori_loop(0, H // L, init_j, 0)
    idx_v[pl.ds(0, L)] = jnp.zeros((L,), jnp.int32)

    lane = lax.iota(jnp.int32, L)

    def step(t, k):
        lx = plsc.load_gather(xs_v, [k])
        ly = plsc.load_gather(ys_v, [k])
        lz = plsc.load_gather(zs_v, [k])

        best0 = jnp.full((L,), -jnp.inf, jnp.float32)
        bidx0 = jnp.full((L,), 2**30, jnp.int32)

        def chunk(s, carry):
            best, bidx = carry
            dx = xh_v[pl.ds(s, L)] - lx
            dy = yh_v[pl.ds(s, L)] - ly
            dz = zh_v[pl.ds(s, L)] - lz
            d = (dx * dx + dz * dz) + dy * dy
            nd = jnp.minimum(dist_v[pl.ds(s, L)], d)
            dist_v[pl.ds(s, L)] = nd
            idx = off + s + lane
            gt = nd > best
            eq = nd == best
            bidx = jnp.where(gt, idx,
                             jnp.where(eq, jnp.minimum(bidx, idx), bidx))
            best = jnp.maximum(best, nd)
            return best, bidx

        best, bidx = plsc.parallel_loop(
            0, H, step=L, unroll=4, carry=(best0, bidx0))(chunk)

        prow = 300 + (t % 2) * 32
        mb_v[...] = best
        mi_v[...] = plsc.bitcast(bidx, jnp.float32)
        pltpu.sync_copy(mb_v, sh_ex.at[cid, prow + sid])
        pltpu.sync_copy(mi_v, sh_ex.at[cid, prow + L + sid])
        plsc.subcore_barrier()
        pltpu.sync_copy(sh_ex.at[cid, prow + (sid ^ 1)], pb_v)
        pltpu.sync_copy(sh_ex.at[cid, prow + L + (sid ^ 1)], pi_v)
        obest = pb_v[...]
        obidx = plsc.bitcast(pi_v[...], jnp.int32)

        gt = obest > best
        eq = obest == best
        bidx = jnp.where(gt, obidx,
                         jnp.where(eq, jnp.minimum(bidx, obidx), bidx))
        best = jnp.maximum(best, obest)

        maxv = jnp.max(best)
        cand = jnp.where(best == maxv, bidx, jnp.int32(2**30))
        knext = jnp.full((L,), jnp.min(cand), jnp.int32)

        @pl.when(half == 0)
        def _():
            plsc.store_scatter(idx_v, [jnp.full((L,), t, jnp.int32)],
                               knext, mask=lane == 0)

        return knext

    lax.fori_loop(1, M, step, jnp.zeros((L,), jnp.int32))

    @pl.when(half == 0)
    def _():
        def gout(j, carry):
            s = j * L
            iv = idx_v[pl.ds(s, L)]
            ox_v[pl.ds(s, L)] = plsc.load_gather(xs_v, [iv])
            oy_v[pl.ds(s, L)] = plsc.load_gather(ys_v, [iv])
            oz_v[pl.ds(s, L)] = plsc.load_gather(zs_v, [iv])
            return carry

        lax.fori_loop(0, M // L, gout, 0)

        pltpu.sync_copy(ox_v, y_hbm.at[row + 0])
        pltpu.sync_copy(oy_v, y_hbm.at[row + 1])
        pltpu.sync_copy(oz_v, y_hbm.at[row + 2])


@jax.jit
def _fps_sc(xr):
    mesh = plsc.VectorSubcoreMesh(core_axis_name="c", subcore_axis_name="s")
    f = functools.partial(
        pl.kernel,
        mesh=mesh,
        compiler_params=pltpu.CompilerParams(needs_layout_passes=False),
        out_type=jax.ShapeDtypeStruct((B * C, M), jnp.float32),
        scratch_types=[
            pltpu.VMEM((N,), jnp.float32),
            pltpu.VMEM((N,), jnp.float32),
            pltpu.VMEM((N,), jnp.float32),
            pltpu.VMEM((H,), jnp.float32),
            pltpu.VMEM((H,), jnp.float32),
            pltpu.VMEM((H,), jnp.float32),
            pltpu.VMEM((H,), jnp.float32),
            pltpu.VMEM((M,), jnp.int32),
            pltpu.VMEM((M,), jnp.float32),
            pltpu.VMEM((M,), jnp.float32),
            pltpu.VMEM((M,), jnp.float32),
            pltpu.VMEM((L,), jnp.float32),
            pltpu.VMEM((L,), jnp.float32),
            pltpu.VMEM((L,), jnp.float32),
            pltpu.VMEM((L,), jnp.float32),
            pltpu.VMEM_SHARED((2, 512, L), jnp.float32),
        ],
    )(_fps_body)
    return f(xr)


def kernel(x):
    xr = x.reshape(B * C, N)
    yr = _fps_sc(xr)
    return yr.reshape(B, C, M)

# --- scband reference (transcript-rebuilt; emitter-appended) ---
"""Pipeline reference for scband-fpssampler-1529008357473 (READ-ONLY COPY).

The authoritative reference and input builder live on the scoring server;
editing this copy changes nothing except your own understanding.
"""

import jax, jax.numpy as jnp
import numpy as np

NUM_OUT_POINTS = 1024


def setup_inputs(seed: int = 0) -> dict:
    key = jax.random.key(seed)
    x = jax.random.normal(key, (16, 3, 8192), dtype=jnp.float32)
    return {"x": x}


def _fps_indices(pts, m):
    # pts: [B, N, C] -> farthest point sampling indices [B, m]
    B, N, C = pts.shape
    init_idx = jnp.zeros((B,), dtype=jnp.int32)
    init_dists = jnp.full((B, N), jnp.inf, dtype=pts.dtype)

    def body(carry, _):
        dists, last_idx = carry
        last_pt = jnp.take_along_axis(pts, last_idx[:, None, None].astype(jnp.int32), axis=1)  # [B,1,C]
        d = jnp.sum((pts - last_pt) ** 2, axis=-1)  # [B, N]
        dists = jnp.minimum(dists, d)
        nxt = jnp.argmax(dists, axis=-1).astype(jnp.int32)
        return (dists, nxt), nxt

    (_, _), rest = jax.lax.scan(body, (init_dists, init_idx), None, length=m - 1)
    idx = jnp.concatenate([init_idx[None, :], rest], axis=0)  # [m, B]
    return jnp.transpose(idx)  # [B, m]


def reference(x):
    # x: [B, C, N]; permute=False so no random shuffle of the point axis
    B, C, N = x.shape
    pts = jnp.transpose(x, (0, 2, 1))  # [B, N, C]
    idx = _fps_indices(pts, NUM_OUT_POINTS)  # [B, M]
    idx_b = jnp.broadcast_to(idx[:, None, :], (B, C, NUM_OUT_POINTS))
    y = jnp.take_along_axis(x, idx_b, axis=2)  # [B, C, M]
    return y

if __name__ == "__main__":
    import jax
    _d = setup_inputs()
    print(jax.jit(kernel)(*tuple(_d.values())))

</pallas_src>

<mosaic_0001>
#map = affine_map<(d0, d1) -> (0, 0)>
module attributes {stable_mosaic.version = 14 : i64} {
  func.func @_fps_body(%arg0: i32, %arg1: i32, %arg2: memref<48x8192xf32, #tpu.memory_space<hbm>>, %arg3: memref<48x1024xf32, #tpu.memory_space<hbm>>, %arg4: memref<8192xf32, #tpu.memory_space<vmem>>, %arg5: memref<8192xf32, #tpu.memory_space<vmem>>, %arg6: memref<8192xf32, #tpu.memory_space<vmem>>, %arg7: memref<4096xf32, #tpu.memory_space<vmem>>, %arg8: memref<4096xf32, #tpu.memory_space<vmem>>, %arg9: memref<4096xf32, #tpu.memory_space<vmem>>, %arg10: memref<4096xf32, #tpu.memory_space<vmem>>, %arg11: memref<1024xi32, #tpu.memory_space<vmem>>, %arg12: memref<1024xf32, #tpu.memory_space<vmem>>, %arg13: memref<1024xf32, #tpu.memory_space<vmem>>, %arg14: memref<1024xf32, #tpu.memory_space<vmem>>, %arg15: memref<16xf32, #tpu.memory_space<vmem>>, %arg16: memref<16xf32, #tpu.memory_space<vmem>>, %arg17: memref<16xf32, #tpu.memory_space<vmem>>, %arg18: memref<16xf32, #tpu.memory_space<vmem>>, %arg19: memref<2x512x16xf32, #tpu.memory_space<vmem_shared>>) attributes {dimension_semantics = [#tpu.dimension_semantics<core_parallel>, #tpu.dimension_semantics<subcore_parallel>], iteration_bounds = array<i64: 2, 16>, scalar_prefetch = 0 : i64, scratch_operands = 16 : i64, tpu.core_type = #tpu.core_type<sc_vector_subcore>, window_params = [{transform_indices = #map}, {transform_indices = #map}]} {
    %mul3A = arith.constant 8 : i32
    %mul3A_0 = arith.muli %arg0, %mul3A : i32
    %jit3A = arith.constant 2 : i32
    %div3A = arith.divsi %arg1, %jit3A : i32
    %sign3A = arith.constant 0 : i32
    %sign3A_1 = arith.cmpi sgt, %arg1, %sign3A : i32
    %sign3A_2 = arith.extui %sign3A_1 : i1 to i32
    %sign3A_3 = arith.constant 0 : i32
    %sign3A_4 = arith.cmpi slt, %arg1, %sign3A_3 : i32
    %sign3A_5 = arith.extui %sign3A_4 : i1 to i32
    %sign3A_6 = arith.subi %sign3A_2, %sign3A_5 : i32
    %sign3A_7 = arith.constant 0 : i32
    %sign3A_8 = arith.cmpi sgt, %jit3A, %sign3A_7 : i32
    %sign3A_9 = arith.extui %sign3A_8 : i1 to i32
    %sign3A_10 = arith.constant 0 : i32
    %sign3A_11 = arith.cmpi slt, %jit3A, %sign3A_10 : i32
    %sign3A_12 = arith.extui %sign3A_11 : i1 to i32
    %sign3A_13 = arith.subi %sign3A_9, %sign3A_12 : i32
    %ne3A = arith.cmpi ne, %sign3A_6, %sign3A_13 : i32
    %rem3A = arith.remsi %arg1, %jit3A : i32
    %ne3A_14 = arith.constant 0 : i32
    %ne3A_15 = arith.cmpi ne, %rem3A, %ne3A_14 : i32
    %and3A = arith.andi %ne3A, %ne3A_15 : i1
    %sub3A = arith.constant 1 : i32
    %sub3A_16 = arith.subi %div3A, %sub3A : i32
    %select_n3A = arith.select %and3A, %sub3A_16, %div3A : i32
    %add3A = arith.addi %mul3A_0, %select_n3A : i32
    %jit3A_17 = arith.constant 2 : i32
    %eq3A = arith.constant 0 : i32
    %eq3A_18 = arith.cmpi eq, %jit3A_17, %eq3A : i32
    %jit3A_19 = arith.constant 1 : i32
    %select_n3A_20 = arith.select %eq3A_18, %jit3A_19, %jit3A_17 : i32
    %rem3A_21 = arith.remsi %arg1, %select_n3A_20 : i32
    %ne3A_22 = arith.constant 0 : i32
    %ne3A_23 = arith.cmpi ne, %rem3A_21, %ne3A_22 : i32
    %lt3A = arith.constant 0 : i32
    %lt3A_24 = arith.cmpi slt, %rem3A_21, %lt3A : i32
    %lt3A_25 = arith.constant 0 : i32
    %lt3A_26 = arith.cmpi slt, %select_n3A_20, %lt3A_25 : i32
    %ne3A_27 = arith.xori %lt3A_24, %lt3A_26 : i1
    %and3A_28 = arith.andi %ne3A_27, %ne3A_23 : i1
    %add3A_29 = arith.addi %rem3A_21, %select_n3A_20 : i32
    %select_n3A_30 = arith.select %and3A_28, %add3A_29, %rem3A_21 : i32
    %mul3A_31 = arith.constant 4096 : i32
    %mul3A_32 = arith.muli %select_n3A_30, %mul3A_31 : i32
    %mul3A_33 = arith.constant 3 : i32
    %mul3A_34 = arith.muli %add3A, %mul3A_33 : i32
    %add3A_35 = arith.constant 0 : i32
    %add3A_36 = arith.addi %mul3A_34, %add3A_35 : i32
    "tpu.region"() ({
      %run_scoped3A = tpu.sem_alloc : memref<!tpu.dma_semaphore, #tpu.memory_space<semaphore_mem>>
      %dma_start3A = arith.constant 0 : i32
      %dma_start3A_67 = tpu.memref_slice %arg2[%add3A_36, %dma_start3A] : memref<48x8192xf32, #tpu.memory_space<hbm>> -> memref<1x8192xf32, #tpu.memory_space<hbm>>
      %dma_start3A_68 = tpu.memref_squeeze %dma_start3A_67 : memref<1x8192xf32, #tpu.memory_space<hbm>> -> memref<8192xf32, #tpu.memory_space<hbm>>
      %dma_start3A_69 = arith.constant 0 : i32
      %dma_start3A_70 = tpu.memref_slice %arg2[%add3A_36, %dma_start3A_69] : memref<48x8192xf32, #tpu.memory_space<hbm>> -> memref<1x8192xf32, #tpu.memory_space<hbm>>
      %dma_start3A_71 = tpu.memref_squeeze %dma_start3A_70 : memref<1x8192xf32, #tpu.memory_space<hbm>> -> memref<8192xf32, #tpu.memory_space<hbm>>
      tpu.enqueue_dma source(%dma_start3A_71 : memref<8192xf32, #tpu.memory_space<hbm>>) target(%arg4 : memref<8192xf32, #tpu.memory_space<vmem>>) target_semaphore(%run_scoped3A : memref<!tpu.dma_semaphore, #tpu.memory_space<semaphore_mem>>)
      %dma_wait3A = arith.constant 0 : i32
      %dma_wait3A_72 = tpu.memref_slice %arg2[%add3A_36, %dma_wait3A] : memref<48x8192xf32, #tpu.memory_space<hbm>> -> memref<1x8192xf32, #tpu.memory_space<hbm>>
      %dma_wait3A_73 = tpu.memref_squeeze %dma_wait3A_72 : memref<1x8192xf32, #tpu.memory_space<hbm>> -> memref<8192xf32, #tpu.memory_space<hbm>>
      %dma_wait3A_74 = arith.constant 0 : i32
      %dma_wait3A_75 = tpu.memref_slice %arg2[%add3A_36, %dma_wait3A_74] : memref<48x8192xf32, #tpu.memory_space<hbm>> -> memref<1x8192xf32, #tpu.memory_space<hbm>>
      %dma_wait3A_76 = tpu.memref_squeeze %dma_wait3A_75 : memref<1x8192xf32, #tpu.memory_space<hbm>> -> memref<8192xf32, #tpu.memory_space<hbm>>
      tpu.wait_dma2 semaphore(%run_scoped3A : memref<!tpu.dma_semaphore, #tpu.memory_space<semaphore_mem>>) src(%dma_wait3A_76 : memref<8192xf32, #tpu.memory_space<hbm>>) dst(%arg4 : memref<8192xf32, #tpu.memory_space<vmem>>)
      tpu.yield
    }) : () -> ()
    %add3A_37 = arith.constant 1 : i32
    %add3A_38 = arith.addi %mul3A_34, %add3A_37 : i32
    "tpu.region"() ({
      %run_scoped3A = tpu.sem_alloc : memref<!tpu.dma_semaphore, #tpu.memory_space<semaphore_mem>>
      %dma_start3A = arith.constant 0 : i32
      %dma_start3A_67 = tpu.memref_slice %arg2[%add3A_38, %dma_start3A] : memref<48x8192xf32, #tpu.memory_space<hbm>> -> memref<1x8192xf32, #tpu.memory_space<hbm>>
      %dma_start3A_68 = tpu.memref_squeeze %dma_start3A_67 : memref<1x8192xf32, #tpu.memory_space<hbm>> -> memref<8192xf32, #tpu.memory_space<hbm>>
      %dma_start3A_69 = arith.constant 0 : i32
      %dma_start3A_70 = tpu.memref_slice %arg2[%add3A_38, %dma_start3A_69] : memref<48x8192xf32, #tpu.memory_space<hbm>> -> memref<1x8192xf32, #tpu.memory_space<hbm>>
      %dma_start3A_71 = tpu.memref_squeeze %dma_start3A_70 : memref<1x8192xf32, #tpu.memory_space<hbm>> -> memref<8192xf32, #tpu.memory_space<hbm>>
      tpu.enqueue_dma source(%dma_start3A_71 : memref<8192xf32, #tpu.memory_space<hbm>>) target(%arg5 : memref<8192xf32, #tpu.memory_space<vmem>>) target_semaphore(%run_scoped3A : memref<!tpu.dma_semaphore, #tpu.memory_space<semaphore_mem>>)
      %dma_wait3A = arith.constant 0 : i32
      %dma_wait3A_72 = tpu.memref_slice %arg2[%add3A_38, %dma_wait3A] : memref<48x8192xf32, #tpu.memory_space<hbm>> -> memref<1x8192xf32, #tpu.memory_space<hbm>>
      %dma_wait3A_73 = tpu.memref_squeeze %dma_wait3A_72 : memref<1x8192xf32, #tpu.memory_space<hbm>> -> memref<8192xf32, #tpu.memory_space<hbm>>
      %dma_wait3A_74 = arith.constant 0 : i32
      %dma_wait3A_75 = tpu.memref_slice %arg2[%add3A_38, %dma_wait3A_74] : memref<48x8192xf32, #tpu.memory_space<hbm>> -> memref<1x8192xf32, #tpu.memory_space<hbm>>
      %dma_wait3A_76 = tpu.memref_squeeze %dma_wait3A_75 : memref<1x8192xf32, #tpu.memory_space<hbm>> -> memref<8192xf32, #tpu.memory_space<hbm>>
      tpu.wait_dma2 semaphore(%run_scoped3A : memref<!tpu.dma_semaphore, #tpu.memory_space<semaphore_mem>>) src(%dma_wait3A_76 : memref<8192xf32, #tpu.memory_space<hbm>>) dst(%arg5 : memref<8192xf32, #tpu.memory_space<vmem>>)
      tpu.yield
    }) : () -> ()
    %add3A_39 = arith.constant 2 : i32
    %add3A_40 = arith.addi %mul3A_34, %add3A_39 : i32
    "tpu.region"() ({
      %run_scoped3A = tpu.sem_alloc : memref<!tpu.dma_semaphore, #tpu.memory_space<semaphore_mem>>
      %dma_start3A = arith.constant 0 : i32
      %dma_start3A_67 = tpu.memref_slice %arg2[%add3A_40, %dma_start3A] : memref<48x8192xf32, #tpu.memory_space<hbm>> -> memref<1x8192xf32, #tpu.memory_space<hbm>>
      %dma_start3A_68 = tpu.memref_squeeze %dma_start3A_67 : memref<1x8192xf32, #tpu.memory_space<hbm>> -> memref<8192xf32, #tpu.memory_space<hbm>>
      %dma_start3A_69 = arith.constant 0 : i32
      %dma_start3A_70 = tpu.memref_slice %arg2[%add3A_40, %dma_start3A_69] : memref<48x8192xf32, #tpu.memory_space<hbm>> -> memref<1x8192xf32, #tpu.memory_space<hbm>>
      %dma_start3A_71 = tpu.memref_squeeze %dma_start3A_70 : memref<1x8192xf32, #tpu.memory_space<hbm>> -> memref<8192xf32, #tpu.memory_space<hbm>>
      tpu.enqueue_dma source(%dma_start3A_71 : memref<8192xf32, #tpu.memory_space<hbm>>) target(%arg6 : memref<8192xf32, #tpu.memory_space<vmem>>) target_semaphore(%run_scoped3A : memref<!tpu.dma_semaphore, #tpu.memory_space<semaphore_mem>>)
      %dma_wait3A = arith.constant 0 : i32
      %dma_wait3A_72 = tpu.memref_slice %arg2[%add3A_40, %dma_wait3A] : memref<48x8192xf32, #tpu.memory_space<hbm>> -> memref<1x8192xf32, #tpu.memory_space<hbm>>
      %dma_wait3A_73 = tpu.memref_squeeze %dma_wait3A_72 : memref<1x8192xf32, #tpu.memory_space<hbm>> -> memref<8192xf32, #tpu.memory_space<hbm>>
      %dma_wait3A_74 = arith.constant 0 : i32
      %dma_wait3A_75 = tpu.memref_slice %arg2[%add3A_40, %dma_wait3A_74] : memref<48x8192xf32, #tpu.memory_space<hbm>> -> memref<1x8192xf32, #tpu.memory_space<hbm>>
      %dma_wait3A_76 = tpu.memref_squeeze %dma_wait3A_75 : memref<1x8192xf32, #tpu.memory_space<hbm>> -> memref<8192xf32, #tpu.memory_space<hbm>>
      tpu.wait_dma2 semaphore(%run_scoped3A : memref<!tpu.dma_semaphore, #tpu.memory_space<semaphore_mem>>) src(%dma_wait3A_76 : memref<8192xf32, #tpu.memory_space<hbm>>) dst(%arg6 : memref<8192xf32, #tpu.memory_space<vmem>>)
      tpu.yield
    }) : () -> ()
    %add3A_41 = arith.constant 0 : i32
    %add3A_42 = arith.addi %mul3A_34, %add3A_41 : i32
    "tpu.region"() ({
      %run_scoped3A = tpu.sem_alloc : memref<!tpu.dma_semaphore, #tpu.memory_space<semaphore_mem>>
      %dma_start3A = tpu.memref_slice %arg2[%add3A_42, %mul3A_32] : memref<48x8192xf32, #tpu.memory_space<hbm>> -> memref<1x4096xf32, #tpu.memory_space<hbm>>
      %dma_start3A_67 = tpu.memref_squeeze %dma_start3A : memref<1x4096xf32, #tpu.memory_space<hbm>> -> memref<4096xf32, #tpu.memory_space<hbm>>
      %dma_start3A_68 = tpu.memref_slice %arg2[%add3A_42, %mul3A_32] : memref<48x8192xf32, #tpu.memory_space<hbm>> -> memref<1x4096xf32, #tpu.memory_space<hbm>>
      %dma_start3A_69 = tpu.memref_squeeze %dma_start3A_68 : memref<1x4096xf32, #tpu.memory_space<hbm>> -> memref<4096xf32, #tpu.memory_space<hbm>>
      tpu.enqueue_dma source(%dma_start3A_69 : memref<4096xf32, #tpu.memory_space<hbm>>) target(%arg7 : memref<4096xf32, #tpu.memory_space<vmem>>) target_semaphore(%run_scoped3A : memref<!tpu.dma_semaphore, #tpu.memory_space<semaphore_mem>>)
      %dma_wait3A = tpu.memref_slice %arg2[%add3A_42, %mul3A_32] : memref<48x8192xf32, #tpu.memory_space<hbm>> -> memref<1x4096xf32, #tpu.memory_space<hbm>>
      %dma_wait3A_70 = tpu.memref_squeeze %dma_wait3A : memref<1x4096xf32, #tpu.memory_space<hbm>> -> memref<4096xf32, #tpu.memory_space<hbm>>
      %dma_wait3A_71 = tpu.memref_slice %arg2[%add3A_42, %mul3A_32] : memref<48x8192xf32, #tpu.memory_space<hbm>> -> memref<1x4096xf32, #tpu.memory_space<hbm>>
      %dma_wait3A_72 = tpu.memref_squeeze %dma_wait3A_71 : memref<1x4096xf32, #tpu.memory_space<hbm>> -> memref<4096xf32, #tpu.memory_space<hbm>>
      tpu.wait_dma2 semaphore(%run_scoped3A : memref<!tpu.dma_semaphore, #tpu.memory_space<semaphore_mem>>) src(%dma_wait3A_72 : memref<4096xf32, #tpu.memory_space<hbm>>) dst(%arg7 : memref<4096xf32, #tpu.memory_space<vmem>>)
      tpu.yield
    }) : () -> ()
    %add3A_43 = arith.constant 1 : i32
    %add3A_44 = arith.addi %mul3A_34, %add3A_43 : i32
    "tpu.region"() ({
      %run_scoped3A = tpu.sem_alloc : memref<!tpu.dma_semaphore, #tpu.memory_space<semaphore_mem>>
      %dma_start3A = tpu.memref_slice %arg2[%add3A_44, %mul3A_32] : memref<48x8192xf32, #tpu.memory_space<hbm>> -> memref<1x4096xf32, #tpu.memory_space<hbm>>
      %dma_start3A_67 = tpu.memref_squeeze %dma_start3A : memref<1x4096xf32, #tpu.memory_space<hbm>> -> memref<4096xf32, #tpu.memory_space<hbm>>
      %dma_start3A_68 = tpu.memref_slice %arg2[%add3A_44, %mul3A_32] : memref<48x8192xf32, #tpu.memory_space<hbm>> -> memref<1x4096xf32, #tpu.memory_space<hbm>>
      %dma_start3A_69 = tpu.memref_squeeze %dma_start3A_68 : memref<1x4096xf32, #tpu.memory_space<hbm>> -> memref<4096xf32, #tpu.memory_space<hbm>>
      tpu.enqueue_dma source(%dma_start3A_69 : memref<4096xf32, #tpu.memory_space<hbm>>) target(%arg8 : memref<4096xf32, #tpu.memory_space<vmem>>) target_semaphore(%run_scoped3A : memref<!tpu.dma_semaphore, #tpu.memory_space<semaphore_mem>>)
      %dma_wait3A = tpu.memref_slice %arg2[%add3A_44, %mul3A_32] : memref<48x8192xf32, #tpu.memory_space<hbm>> -> memref<1x4096xf32, #tpu.memory_space<hbm>>
      %dma_wait3A_70 = tpu.memref_squeeze %dma_wait3A : memref<1x4096xf32, #tpu.memory_space<hbm>> -> memref<4096xf32, #tpu.memory_space<hbm>>
      %dma_wait3A_71 = tpu.memref_slice %arg2[%add3A_44, %mul3A_32] : memref<48x8192xf32, #tpu.memory_space<hbm>> -> memref<1x4096xf32, #tpu.memory_space<hbm>>
      %dma_wait3A_72 = tpu.memref_squeeze %dma_wait3A_71 : memref<1x4096xf32, #tpu.memory_space<hbm>> -> memref<4096xf32, #tpu.memory_space<hbm>>
      tpu.wait_dma2 semaphore(%run_scoped3A : memref<!tpu.dma_semaphore, #tpu.memory_space<semaphore_mem>>) src(%dma_wait3A_72 : memref<4096xf32, #tpu.memory_space<hbm>>) dst(%arg8 : memref<4096xf32, #tpu.memory_space<vmem>>)
      tpu.yield
    }) : () -> ()
    %add3A_45 = arith.constant 2 : i32
    %add3A_46 = arith.addi %mul3A_34, %add3A_45 : i32
    "tpu.region"() ({
      %run_scoped3A = tpu.sem_alloc : memref<!tpu.dma_semaphore, #tpu.memory_space<semaphore_mem>>
      %dma_start3A = tpu.memref_slice %arg2[%add3A_46, %mul3A_32] : memref<48x8192xf32, #tpu.memory_space<hbm>> -> memref<1x4096xf32, #tpu.memory_space<hbm>>
      %dma_start3A_67 = tpu.memref_squeeze %dma_start3A : memref<1x4096xf32, #tpu.memory_space<hbm>> -> memref<4096xf32, #tpu.memory_space<hbm>>
      %dma_start3A_68 = tpu.memref_slice %arg2[%add3A_46, %mul3A_32] : memref<48x8192xf32, #tpu.memory_space<hbm>> -> memref<1x4096xf32, #tpu.memory_space<hbm>>
      %dma_start3A_69 = tpu.memref_squeeze %dma_start3A_68 : memref<1x4096xf32, #tpu.memory_space<hbm>> -> memref<4096xf32, #tpu.memory_space<hbm>>
      tpu.enqueue_dma source(%dma_start3A_69 : memref<4096xf32, #tpu.memory_space<hbm>>) target(%arg9 : memref<4096xf32, #tpu.memory_space<vmem>>) target_semaphore(%run_scoped3A : memref<!tpu.dma_semaphore, #tpu.memory_space<semaphore_mem>>)
      %dma_wait3A = tpu.memref_slice %arg2[%add3A_46, %mul3A_32] : memref<48x8192xf32, #tpu.memory_space<hbm>> -> memref<1x4096xf32, #tpu.memory_space<hbm>>
      %dma_wait3A_70 = tpu.memref_squeeze %dma_wait3A : memref<1x4096xf32, #tpu.memory_space<hbm>> -> memref<4096xf32, #tpu.memory_space<hbm>>
      %dma_wait3A_71 = tpu.memref_slice %arg2[%add3A_46, %mul3A_32] : memref<48x8192xf32, #tpu.memory_space<hbm>> -> memref<1x4096xf32, #tpu.memory_space<hbm>>
      %dma_wait3A_72 = tpu.memref_squeeze %dma_wait3A_71 : memref<1x4096xf32, #tpu.memory_space<hbm>> -> memref<4096xf32, #tpu.memory_space<hbm>>
      tpu.wait_dma2 semaphore(%run_scoped3A : memref<!tpu.dma_semaphore, #tpu.memory_space<semaphore_mem>>) src(%dma_wait3A_72 : memref<4096xf32, #tpu.memory_space<hbm>>) dst(%arg9 : memref<4096xf32, #tpu.memory_space<vmem>>)
      tpu.yield
    }) : () -> ()
    %broadcast_in_dim3A = arith.constant 0x7F800000 : f32
    %broadcast_in_dim3A_47 = vector.broadcast %broadcast_in_dim3A : f32 to vector<16xf32>
    %scan3A = arith.constant 0 : i32
    %scan3A_48 = arith.constant 0 : i32
    %scan3A_49 = arith.constant 256 : i32
    %scan3A_50 = arith.addi %scan3A_48, %scan3A_49 : i32
    %scan3A_51 = arith.constant 1 : i32
    scf.for %scan3A_67 = %scan3A_48 to %scan3A_50 step %scan3A_51  : i32 {
      %mul3A_68 = arith.constant 16 : i32
      %mul3A_69 = arith.muli %scan3A_67, %mul3A_68 : i32
      %swap3A_70 = arith.index_cast %mul3A_69 : i32 to index
      %swap3A_71 = tpu.vector_load %arg10[%swap3A_70] {strides = array<i32>} : memref<4096xf32, #tpu.memory_space<vmem>>, vector<16xf32>,
      tpu.vector_store %arg10[%swap3A_70], %broadcast_in_dim3A_47 {strides = array<i32>} : memref<4096xf32, #tpu.memory_space<vmem>>, vector<16xf32>,
    }
    %scan3A_52 = arith.constant 256 : i32
    %broadcast_in_dim3A_53 = arith.constant 0 : i32
    %broadcast_in_dim3A_54 = vector.broadcast %broadcast_in_dim3A_53 : i32 to vector<16xi32>
    %swap3A = arith.constant 0 : index
    %swap3A_55 = tpu.vector_load %arg11[%swap3A] {strides = array<i32>} : memref<1024xi32, #tpu.memory_space<vmem>>, vector<16xi32>,
    tpu.vector_store %arg11[%swap3A], %broadcast_in_dim3A_54 {strides = array<i32>} : memref<1024xi32, #tpu.memory_space<vmem>>, vector<16xi32>,
    %iota3A = tpu.iota {dimensions = array<i32: 0>} : vector<16xi32>
    %broadcast_in_dim3A_56 = arith.constant 0 : i32
    %broadcast_in_dim3A_57 = vector.broadcast %broadcast_in_dim3A_56 : i32 to vector<16xi32>
    %scan3A_58 = arith.constant 1 : i32
    %scan3A_59 = arith.constant 1023 : i32
    %scan3A_60 = arith.addi %scan3A_58, %scan3A_59 : i32
    %scan3A_61 = arith.constant 1 : i32
    %scan3A_62 = scf.for %scan3A_67 = %scan3A_58 to %scan3A_60 step %scan3A_61 iter_args(%scan3A_68 = %broadcast_in_dim3A_57) -> (vector<16xi32>)  : i32 {
      %gather3A = tpu.vector_load_idx %arg4[%scan3A_68] : memref<8192xf32, #tpu.memory_space<vmem>>[vector<16xi32>], vector<16xf32>,
      %gather3A_69 = tpu.vector_load_idx %arg5[%scan3A_68] : memref<8192xf32, #tpu.memory_space<vmem>>[vector<16xi32>], vector<16xf32>,
      %gather3A_70 = tpu.vector_load_idx %arg6[%scan3A_68] : memref<8192xf32, #tpu.memory_space<vmem>>[vector<16xi32>], vector<16xf32>,
      %broadcast_in_dim3A_71 = arith.constant 0xFF800000 : f32
      %broadcast_in_dim3A_72 = vector.broadcast %broadcast_in_dim3A_71 : f32 to vector<16xf32>
      %broadcast_in_dim3A_73 = arith.constant 1073741824 : i32
      %broadcast_in_dim3A_74 = vector.broadcast %broadcast_in_dim3A_73 : i32 to vector<16xi32>
      %parallel_loop3A = arith.constant 0 : i32
      %parallel_loop3A_75 = arith.constant 4096 : i32
      %parallel_loop3A_76 = arith.constant 16 : i32
      %parallel_loop3A_77:2 = scf.for %parallel_loop3A_141 = %parallel_loop3A to %parallel_loop3A_75 step %parallel_loop3A_76 iter_args(%parallel_loop3A_142 = %broadcast_in_dim3A_72, %parallel_loop3A_143 = %broadcast_in_dim3A_74) -> (vector<16xf32>, vector<16xi32>)  : i32 {
        %parallel_loop3A_144 = arith.index_cast %parallel_loop3A_141 : i32 to index
        %parallel_loop3A_145 = tpu.vector_load %arg7[%parallel_loop3A_144] {strides = array<i32>} : memref<4096xf32, #tpu.memory_space<vmem>>, vector<16xf32>,
        %parallel_loop3A_146 = arith.subf %parallel_loop3A_145, %gather3A : vector<16xf32>
        %parallel_loop3A_147 = arith.index_cast %parallel_loop3A_141 : i32 to index
        %parallel_loop3A_148 = tpu.vector_load %arg8[%parallel_loop3A_147] {strides = array<i32>} : memref<4096xf32, #tpu.memory_space<vmem>>, vector<16xf32>,
        %parallel_loop3A_149 = arith.subf %parallel_loop3A_148, %gather3A_69 : vector<16xf32>
        %parallel_loop3A_150 = arith.index_cast %parallel_loop3A_141 : i32 to index
        %parallel_loop3A_151 = tpu.vector_load %arg9[%parallel_loop3A_150] {strides = array<i32>} : memref<4096xf32, #tpu.memory_space<vmem>>, vector<16xf32>,
        %parallel_loop3A_152 = arith.subf %parallel_loop3A_151, %gather3A_70 : vector<16xf32>
        %parallel_loop3A_153 = arith.mulf %parallel_loop3A_146, %parallel_loop3A_146 : vector<16xf32>
        %parallel_loop3A_154 = arith.mulf %parallel_loop3A_152, %parallel_loop3A_152 : vector<16xf32>
        %parallel_loop3A_155 = arith.addf %parallel_loop3A_153, %parallel_loop3A_154 : vector<16xf32>
        %parallel_loop3A_156 = arith.mulf %parallel_loop3A_149, %parallel_loop3A_149 : vector<16xf32>
        %parallel_loop3A_157 = arith.addf %parallel_loop3A_155, %parallel_loop3A_156 : vector<16xf32>
        %parallel_loop3A_158 = arith.index_cast %parallel_loop3A_141 : i32 to index
        %parallel_loop3A_159 = tpu.vector_load %arg10[%parallel_loop3A_158] {strides = array<i32>} : memref<4096xf32, #tpu.memory_space<vmem>>, vector<16xf32>,
        %parallel_loop3A_160 = arith.minimumf %parallel_loop3A_159, %parallel_loop3A_157 : vector<16xf32>
        %parallel_loop3A_161 = arith.index_cast %parallel_loop3A_141 : i32 to index
        %parallel_loop3A_162 = tpu.vector_load %arg10[%parallel_loop3A_161] {strides = array<i32>} : memref<4096xf32, #tpu.memory_space<vmem>>, vector<16xf32>,
        tpu.vector_store %arg10[%parallel_loop3A_161], %parallel_loop3A_160 {strides = array<i32>} : memref<4096xf32, #tpu.memory_space<vmem>>, vector<16xf32>,
        %parallel_loop3A_163 = arith.addi %mul3A_32, %parallel_loop3A_141 : i32
        %parallel_loop3A_164 = vector.broadcast %parallel_loop3A_163 : i32 to vector<16xi32>
        %parallel_loop3A_165 = arith.addi %parallel_loop3A_164, %iota3A : vector<16xi32>
        %parallel_loop3A_166 = arith.cmpf ogt, %parallel_loop3A_160, %parallel_loop3A_142 : vector<16xf32>
        %parallel_loop3A_167 = arith.cmpf oeq, %parallel_loop3A_160, %parallel_loop3A_142 : vector<16xf32>
        %parallel_loop3A_168 = arith.minsi %parallel_loop3A_143, %parallel_loop3A_165 : vector<16xi32>
        %parallel_loop3A_169 = arith.select %parallel_loop3A_167, %parallel_loop3A_168, %parallel_loop3A_143 : vector<16xi1>, vector<16xi32>
        %parallel_loop3A_170 = arith.select %parallel_loop3A_166, %parallel_loop3A_165, %parallel_loop3A_169 : vector<16xi1>, vector<16xi32>
        %parallel_loop3A_171 = arith.maximumf %parallel_loop3A_142, %parallel_loop3A_160 : vector<16xf32>
        scf.yield %parallel_loop3A_171, %parallel_loop3A_170 : vector<16xf32>, vector<16xi32>
      } {sc.loop_unroll_factor = 4 : i64, sc.parallel_access}
      %jit3A_78 = arith.constant 2 : i32
      %eq3A_79 = arith.constant 0 : i32
      %eq3A_80 = arith.cmpi eq, %jit3A_78, %eq3A_79 : i32
      %jit3A_81 = arith.constant 1 : i32
      %select_n3A_82 = arith.select %eq3A_80, %jit3A_81, %jit3A_78 : i32
      %rem3A_83 = arith.remsi %scan3A_67, %select_n3A_82 : i32
      %ne3A_84 = arith.constant 0 : i32
      %ne3A_85 = arith.cmpi ne, %rem3A_83, %ne3A_84 : i32
      %lt3A_86 = arith.constant 0 : i32
      %lt3A_87 = arith.cmpi slt, %rem3A_83, %lt3A_86 : i32
      %lt3A_88 = arith.constant 0 : i32
      %lt3A_89 = arith.cmpi slt, %select_n3A_82, %lt3A_88 : i32
      %ne3A_90 = arith.xori %lt3A_87, %lt3A_89 : i1
      %and3A_91 = arith.andi %ne3A_90, %ne3A_85 : i1
      %add3A_92 = arith.addi %rem3A_83, %select_n3A_82 : i32
      %select_n3A_93 = arith.select %and3A_91, %add3A_92, %rem3A_83 : i32
      %mul3A_94 = arith.constant 32 : i32
      %mul3A_95 = arith.muli %select_n3A_93, %mul3A_94 : i32
      %add3A_96 = arith.constant 300 : i32
      %add3A_97 = arith.addi %add3A_96, %mul3A_95 : i32
      %swap3A_98 = arith.constant 0 : index
      %swap3A_99 = tpu.vector_load %arg15[%swap3A_98] {strides = array<i32>} : memref<16xf32, #tpu.memory_space<vmem>>, vector<16xf32>,
      tpu.vector_store %arg15[%swap3A_98], %parallel_loop3A_77#0 {strides = array<i32>} : memref<16xf32, #tpu.memory_space<vmem>>, vector<16xf32>,
      %bitcast3A = vector.bitcast %parallel_loop3A_77#1 : vector<16xi32> to vector<16xf32>
      %swap3A_100 = arith.constant 0 : index
      %swap3A_101 = tpu.vector_load %arg16[%swap3A_100] {strides = array<i32>} : memref<16xf32, #tpu.memory_space<vmem>>, vector<16xf32>,
      tpu.vector_store %arg16[%swap3A_100], %bitcast3A {strides = array<i32>} : memref<16xf32, #tpu.memory_space<vmem>>, vector<16xf32>,
      %add3A_102 = arith.addi %add3A_97, %arg1 : i32
      "tpu.region"() ({
        %run_scoped3A = tpu.sem_alloc : memref<!tpu.dma_semaphore, #tpu.memory_space<semaphore_mem>>
        %dma_start3A = arith.constant 0 : i32
        %dma_start3A_141 = tpu.memref_slice %arg19[%arg0, %add3A_102, %dma_start3A] : memref<2x512x16xf32, #tpu.memory_space<vmem_shared>> -> memref<1x1x16xf32, #tpu.memory_space<vmem_shared>>
        %dma_start3A_142 = tpu.memref_squeeze %dma_start3A_141 : memref<1x1x16xf32, #tpu.memory_space<vmem_shared>> -> memref<16xf32, #tpu.memory_space<vmem_shared>>
        %dma_start3A_143 = arith.constant 0 : i32
        %dma_start3A_144 = tpu.memref_slice %arg19[%arg0, %add3A_102, %dma_start3A_143] : memref<2x512x16xf32, #tpu.memory_space<vmem_shared>> -> memref<1x1x16xf32, #tpu.memory_space<vmem_shared>>
        %dma_start3A_145 = tpu.memref_squeeze %dma_start3A_144 : memref<1x1x16xf32, #tpu.memory_space<vmem_shared>> -> memref<16xf32, #tpu.memory_space<vmem_shared>>
        tpu.enqueue_dma source(%arg15 : memref<16xf32, #tpu.memory_space<vmem>>) target(%dma_start3A_145 : memref<16xf32, #tpu.memory_space<vmem_shared>>) target_semaphore(%run_scoped3A : memref<!tpu.dma_semaphore, #tpu.memory_space<semaphore_mem>>)
        %dma_wait3A = arith.constant 0 : i32
        %dma_wait3A_146 = tpu.memref_slice %arg19[%arg0, %add3A_102, %dma_wait3A] : memref<2x512x16xf32, #tpu.memory_space<vmem_shared>> -> memref<1x1x16xf32, #tpu.memory_space<vmem_shared>>
        %dma_wait3A_147 = tpu.memref_squeeze %dma_wait3A_146 : memref<1x1x16xf32, #tpu.memory_space<vmem_shared>> -> memref<16xf32, #tpu.memory_space<vmem_shared>>
        %dma_wait3A_148 = arith.constant 0 : i32
        %dma_wait3A_149 = tpu.memref_slice %arg19[%arg0, %add3A_102, %dma_wait3A_148] : memref<2x512x16xf32, #tpu.memory_space<vmem_shared>> -> memref<1x1x16xf32, #tpu.memory_space<vmem_shared>>
        %dma_wait3A_150 = tpu.memref_squeeze %dma_wait3A_149 : memref<1x1x16xf32, #tpu.memory_space<vmem_shared>> -> memref<16xf32, #tpu.memory_space<vmem_shared>>
        tpu.wait_dma2 semaphore(%run_scoped3A : memref<!tpu.dma_semaphore, #tpu.memory_space<semaphore_mem>>) src(%arg15 : memref<16xf32, #tpu.memory_space<vmem>>) dst(%dma_wait3A_150 : memref<16xf32, #tpu.memory_space<vmem_shared>>)
        tpu.yield
      }) : () -> ()
      %add3A_103 = arith.constant 16 : i32
      %add3A_104 = arith.addi %add3A_97, %add3A_103 : i32
      %add3A_105 = arith.addi %add3A_104, %arg1 : i32
      "tpu.region"() ({
        %run_scoped3A = tpu.sem_alloc : memref<!tpu.dma_semaphore, #tpu.memory_space<semaphore_mem>>
        %dma_start3A = arith.constant 0 : i32
        %dma_start3A_141 = tpu.memref_slice %arg19[%arg0, %add3A_105, %dma_start3A] : memref<2x512x16xf32, #tpu.memory_space<vmem_shared>> -> memref<1x1x16xf32, #tpu.memory_space<vmem_shared>>
        %dma_start3A_142 = tpu.memref_squeeze %dma_start3A_141 : memref<1x1x16xf32, #tpu.memory_space<vmem_shared>> -> memref<16xf32, #tpu.memory_space<vmem_shared>>
        %dma_start3A_143 = arith.constant 0 : i32
        %dma_start3A_144 = tpu.memref_slice %arg19[%arg0, %add3A_105, %dma_start3A_143] : memref<2x512x16xf32, #tpu.memory_space<vmem_shared>> -> memref<1x1x16xf32, #tpu.memory_space<vmem_shared>>
        %dma_start3A_145 = tpu.memref_squeeze %dma_start3A_144 : memref<1x1x16xf32, #tpu.memory_space<vmem_shared>> -> memref<16xf32, #tpu.memory_space<vmem_shared>>
        tpu.enqueue_dma source(%arg16 : memref<16xf32, #tpu.memory_space<vmem>>) target(%dma_start3A_145 : memref<16xf32, #tpu.memory_space<vmem_shared>>) target_semaphore(%run_scoped3A : memref<!tpu.dma_semaphore, #tpu.memory_space<semaphore_mem>>)
        %dma_wait3A = arith.constant 0 : i32
        %dma_wait3A_146 = tpu.memref_slice %arg19[%arg0, %add3A_105, %dma_wait3A] : memref<2x512x16xf32, #tpu.memory_space<vmem_shared>> -> memref<1x1x16xf32, #tpu.memory_space<vmem_shared>>
        %dma_wait3A_147 = tpu.memref_squeeze %dma_wait3A_146 : memref<1x1x16xf32, #tpu.memory_space<vmem_shared>> -> memref<16xf32, #tpu.memory_space<vmem_shared>>
        %dma_wait3A_148 = arith.constant 0 : i32
        %dma_wait3A_149 = tpu.memref_slice %arg19[%arg0, %add3A_105, %dma_wait3A_148] : memref<2x512x16xf32, #tpu.memory_space<vmem_shared>> -> memref<1x1x16xf32, #tpu.memory_space<vmem_shared>>
        %dma_wait3A_150 = tpu.memref_squeeze %dma_wait3A_149 : memref<1x1x16xf32, #tpu.memory_space<vmem_shared>> -> memref<16xf32, #tpu.memory_space<vmem_shared>>
        tpu.wait_dma2 semaphore(%run_scoped3A : memref<!tpu.dma_semaphore, #tpu.memory_space<semaphore_mem>>) src(%arg16 : memref<16xf32, #tpu.memory_space<vmem>>) dst(%dma_wait3A_150 : memref<16xf32, #tpu.memory_space<vmem_shared>>)
        tpu.yield
      }) : () -> ()
      %barrier3A = arith.constant 0 : index
      tpu.barrier barrier_id(%barrier3A)
      %xor3A = arith.constant 1 : i32
      %xor3A_106 = arith.xori %arg1, %xor3A : i32
      %add3A_107 = arith.addi %add3A_97, %xor3A_106 : i32
      "tpu.region"() ({
        %run_scoped3A = tpu.sem_alloc : memref<!tpu.dma_semaphore, #tpu.memory_space<semaphore_mem>>
        %dma_start3A = arith.constant 0 : i32
        %dma_start3A_141 = tpu.memref_slice %arg19[%arg0, %add3A_107, %dma_start3A] : memref<2x512x16xf32, #tpu.memory_space<vmem_shared>> -> memref<1x1x16xf32, #tpu.memory_space<vmem_shared>>
        %dma_start3A_142 = tpu.memref_squeeze %dma_start3A_141 : memref<1x1x16xf32, #tpu.memory_space<vmem_shared>> -> memref<16xf32, #tpu.memory_space<vmem_shared>>
        %dma_start3A_143 = arith.constant 0 : i32
        %dma_start3A_144 = tpu.memref_slice %arg19[%arg0, %add3A_107, %dma_start3A_143] : memref<2x512x16xf32, #tpu.memory_space<vmem_shared>> -> memref<1x1x16xf32, #tpu.memory_space<vmem_shared>>
        %dma_start3A_145 = tpu.memref_squeeze %dma_start3A_144 : memref<1x1x16xf32, #tpu.memory_space<vmem_shared>> -> memref<16xf32, #tpu.memory_space<vmem_shared>>
        tpu.enqueue_dma source(%dma_start3A_145 : memref<16xf32, #tpu.memory_space<vmem_shared>>) target(%arg17 : memref<16xf32, #tpu.memory_space<vmem>>) target_semaphore(%run_scoped3A : memref<!tpu.dma_semaphore, #tpu.memory_space<semaphore_mem>>)
        %dma_wait3A = arith.constant 0 : i32
        %dma_wait3A_146 = tpu.memref_slice %arg19[%arg0, %add3A_107, %dma_wait3A] : memref<2x512x16xf32, #tpu.memory_space<vmem_shared>> -> memref<1x1x16xf32, #tpu.memory_space<vmem_shared>>
        %dma_wait3A_147 = tpu.memref_squeeze %dma_wait3A_146 : memref<1x1x16xf32, #tpu.memory_space<vmem_shared>> -> memref<16xf32, #tpu.memory_space<vmem_shared>>
        %dma_wait3A_148 = arith.constant 0 : i32
        %dma_wait3A_149 = tpu.memref_slice %arg19[%arg0, %add3A_107, %dma_wait3A_148] : memref<2x512x16xf32, #tpu.memory_space<vmem_shared>> -> memref<1x1x16xf32, #tpu.memory_space<vmem_shared>>
        %dma_wait3A_150 = tpu.memref_squeeze %dma_wait3A_149 : memref<1x1x16xf32, #tpu.memory_space<vmem_shared>> -> memref<16xf32, #tpu.memory_space<vmem_shared>>
        tpu.wait_dma2 semaphore(%run_scoped3A : memref<!tpu.dma_semaphore, #tpu.memory_space<semaphore_mem>>) src(%dma_wait3A_150 : memref<16xf32, #tpu.memory_space<vmem_shared>>) dst(%arg17 : memref<16xf32, #tpu.memory_space<vmem>>)
        tpu.yield
      }) : () -> ()
      %add3A_108 = arith.constant 16 : i32
      %add3A_109 = arith.addi %add3A_97, %add3A_108 : i32
      %xor3A_110 = arith.constant 1 : i32
      %xor3A_111 = arith.xori %arg1, %xor3A_110 : i32
      %add3A_112 = arith.addi %add3A_109, %xor3A_111 : i32
      "tpu.region"() ({
        %run_scoped3A = tpu.sem_alloc : memref<!tpu.dma_semaphore, #tpu.memory_space<semaphore_mem>>
        %dma_start3A = arith.constant 0 : i32
        %dma_start3A_141 = tpu.memref_slice %arg19[%arg0, %add3A_112, %dma_start3A] : memref<2x512x16xf32, #tpu.memory_space<vmem_shared>> -> memref<1x1x16xf32, #tpu.memory_space<vmem_shared>>
        %dma_start3A_142 = tpu.memref_squeeze %dma_start3A_141 : memref<1x1x16xf32, #tpu.memory_space<vmem_shared>> -> memref<16xf32, #tpu.memory_space<vmem_shared>>
        %dma_start3A_143 = arith.constant 0 : i32
        %dma_start3A_144 = tpu.memref_slice %arg19[%arg0, %add3A_112, %dma_start3A_143] : memref<2x512x16xf32, #tpu.memory_space<vmem_shared>> -> memref<1x1x16xf32, #tpu.memory_space<vmem_shared>>
        %dma_start3A_145 = tpu.memref_squeeze %dma_start3A_144 : memref<1x1x16xf32, #tpu.memory_space<vmem_shared>> -> memref<16xf32, #tpu.memory_space<vmem_shared>>
        tpu.enqueue_dma source(%dma_start3A_145 : memref<16xf32, #tpu.memory_space<vmem_shared>>) target(%arg18 : memref<16xf32, #tpu.memory_space<vmem>>) target_semaphore(%run_scoped3A : memref<!tpu.dma_semaphore, #tpu.memory_space<semaphore_mem>>)
        %dma_wait3A = arith.constant 0 : i32
        %dma_wait3A_146 = tpu.memref_slice %arg19[%arg0, %add3A_112, %dma_wait3A] : memref<2x512x16xf32, #tpu.memory_space<vmem_shared>> -> memref<1x1x16xf32, #tpu.memory_space<vmem_shared>>
        %dma_wait3A_147 = tpu.memref_squeeze %dma_wait3A_146 : memref<1x1x16xf32, #tpu.memory_space<vmem_shared>> -> memref<16xf32, #tpu.memory_space<vmem_shared>>
        %dma_wait3A_148 = arith.constant 0 : i32
        %dma_wait3A_149 = tpu.memref_slice %arg19[%arg0, %add3A_112, %dma_wait3A_148] : memref<2x512x16xf32, #tpu.memory_space<vmem_shared>> -> memref<1x1x16xf32, #tpu.memory_space<vmem_shared>>
        %dma_wait3A_150 = tpu.memref_squeeze %dma_wait3A_149 : memref<1x1x16xf32, #tpu.memory_space<vmem_shared>> -> memref<16xf32, #tpu.memory_space<vmem_shared>>
        tpu.wait_dma2 semaphore(%run_scoped3A : memref<!tpu.dma_semaphore, #tpu.memory_space<semaphore_mem>>) src(%dma_wait3A_150 : memref<16xf32, #tpu.memory_space<vmem_shared>>) dst(%arg18 : memref<16xf32, #tpu.memory_space<vmem>>)
        tpu.yield
      }) : () -> ()
      %get3A = arith.constant 0 : index
      %get3A_113 = tpu.vector_load %arg17[%get3A] {strides = array<i32>} : memref<16xf32, #tpu.memory_space<vmem>>, vector<16xf32>,
      %get3A_114 = arith.constant 0 : index
      %get3A_115 = tpu.vector_load %arg18[%get3A_114] {strides = array<i32>} : memref<16xf32, #tpu.memory_space<vmem>>, vector<16xf32>,
      %bitcast3A_116 = vector.bitcast %get3A_115 : vector<16xf32> to vector<16xi32>
      %gt3A = arith.cmpf ogt, %get3A_113, %parallel_loop3A_77#0 : vector<16xf32>
      %eq3A_117 = arith.cmpf oeq, %get3A_113, %parallel_loop3A_77#0 : vector<16xf32>
      %min3A = arith.minsi %parallel_loop3A_77#1, %bitcast3A_116 : vector<16xi32>
      %select_n3A_118 = arith.select %eq3A_117, %min3A, %parallel_loop3A_77#1 : vector<16xi1>, vector<16xi32>
      %select_n3A_119 = arith.select %gt3A, %bitcast3A_116, %select_n3A_118 : vector<16xi1>, vector<16xi32>
      %max3A = arith.maximumf %parallel_loop3A_77#0, %get3A_113 : vector<16xf32>
      %reduce_max3A = arith.constant true
      %reduce_max3A_120 = vector.broadcast %reduce_max3A : i1 to vector<16xi1>
      %reduce_max3A_121 = tpu.scan <max>, %max3A masked %reduce_max3A_120 : vector<16xf32>, vector<16xi1> -> vector<16xf32>
      %reduce_max3A_122 = vector.extract %reduce_max3A_121[15] : f32 from vector<16xf32>
      %eq3A_123 = vector.broadcast %reduce_max3A_122 : f32 to vector<16xf32>
      %eq3A_124 = arith.cmpf oeq, %max3A, %eq3A_123 : vector<16xf32>
      %jit3A_125 = arith.constant 1073741824 : i32
      %broadcast_in_dim3A_126 = vector.broadcast %jit3A_125 : i32 to vector<16xi32>
      %select_n3A_127 = arith.select %eq3A_124, %select_n3A_119, %broadcast_in_dim3A_126 : vector<16xi1>, vector<16xi32>
      %reduce_min3A = arith.constant true
      %reduce_min3A_128 = vector.broadcast %reduce_min3A : i1 to vector<16xi1>
      %reduce_min3A_129 = arith.constant -2147483648 : i32
      %reduce_min3A_130 = vector.broadcast %reduce_min3A_129 : i32 to vector<16xi32>
      %reduce_min3A_131 = arith.xori %select_n3A_127, %reduce_min3A_130 : vector<16xi32>
      %reduce_min3A_132 = tpu.scan <min>, %reduce_min3A_131 masked %reduce_min3A_128 : vector<16xi32>, vector<16xi1> -> vector<16xi32>
      %reduce_min3A_133 = arith.xori %reduce_min3A_132, %reduce_min3A_130 : vector<16xi32>
      %reduce_min3A_134 = vector.extract %reduce_min3A_133[15] : i32 from vector<16xi32>
      %broadcast_in_dim3A_135 = vector.broadcast %reduce_min3A_134 : i32 to vector<16xi32>
      %eq3A_136 = arith.constant 0 : i32
      %eq3A_137 = arith.cmpi eq, %select_n3A_30, %eq3A_136 : i32
      %convert_element_type3A_138 = arith.extui %eq3A_137 : i1 to i32
      %cond3A_139 = arith.constant 0 : i32
      %cond3A_140 = arith.cmpi ne, %convert_element_type3A_138, %cond3A_139 : i32
      scf.if %cond3A_140 {
        %broadcast_in_dim3A_141 = vector.broadcast %scan3A_67 : i32 to vector<16xi32>
        %eq3A_142 = arith.constant 0 : i32
        %eq3A_143 = vector.broadcast %eq3A_142 : i32 to vector<16xi32>
        %eq3A_144 = arith.cmpi eq, %iota3A, %eq3A_143 : vector<16xi32>
        tpu.vector_store_idx %arg11[%broadcast_in_dim3A_141], %broadcast_in_dim3A_135 masked %eq3A_144 : memref<1024xi32, #tpu.memory_space<vmem>>[vector<16xi32>], vector<16xi32>, vector<16xi1>
      } else {
      }
      scf.yield %broadcast_in_dim3A_135 : vector<16xi32>
    }
    %scan3A_63 = arith.constant 1023 : i32
    %eq3A_64 = arith.constant 0 : i32
    %eq3A_65 = arith.cmpi eq, %select_n3A_30, %eq3A_64 : i32
    %convert_element_type3A = arith.extui %eq3A_65 : i1 to i32
    %cond3A = arith.constant 0 : i32
    %cond3A_66 = arith.cmpi ne, %convert_element_type3A, %cond3A : i32
    scf.if %cond3A_66 {
      %scan3A_67 = arith.constant 0 : i32
      %scan3A_68 = arith.constant 0 : i32
      %scan3A_69 = arith.constant 64 : i32
      %scan3A_70 = arith.addi %scan3A_68, %scan3A_69 : i32
      %scan3A_71 = arith.constant 1 : i32
      scf.for %scan3A_79 = %scan3A_68 to %scan3A_70 step %scan3A_71  : i32 {
        %mul3A_80 = arith.constant 16 : i32
        %mul3A_81 = arith.muli %scan3A_79, %mul3A_80 : i32
        %get3A = arith.index_cast %mul3A_81 : i32 to index
        %get3A_82 = tpu.vector_load %arg11[%get3A] {strides = array<i32>} : memref<1024xi32, #tpu.memory_space<vmem>>, vector<16xi32>,
        %gather3A = tpu.vector_load_idx %arg4[%get3A_82] : memref<8192xf32, #tpu.memory_space<vmem>>[vector<16xi32>], vector<16xf32>,
        %swap3A_83 = arith.index_cast %mul3A_81 : i32 to index
        %swap3A_84 = tpu.vector_load %arg12[%swap3A_83] {strides = array<i32>} : memref<1024xf32, #tpu.memory_space<vmem>>, vector<16xf32>,
        tpu.vector_store %arg12[%swap3A_83], %gather3A {strides = array<i32>} : memref<1024xf32, #tpu.memory_space<vmem>>, vector<16xf32>,
        %gather3A_85 = tpu.vector_load_idx %arg5[%get3A_82] : memref<8192xf32, #tpu.memory_space<vmem>>[vector<16xi32>], vector<16xf32>,
        %swap3A_86 = arith.index_cast %mul3A_81 : i32 to index
        %swap3A_87 = tpu.vector_load %arg13[%swap3A_86] {strides = array<i32>} : memref<1024xf32, #tpu.memory_space<vmem>>, vector<16xf32>,
        tpu.vector_store %arg13[%swap3A_86], %gather3A_85 {strides = array<i32>} : memref<1024xf32, #tpu.memory_space<vmem>>, vector<16xf32>,
        %gather3A_88 = tpu.vector_load_idx %arg6[%get3A_82] : memref<8192xf32, #tpu.memory_space<vmem>>[vector<16xi32>], vector<16xf32>,
        %swap3A_89 = arith.index_cast %mul3A_81 : i32 to index
        %swap3A_90 = tpu.vector_load %arg14[%swap3A_89] {strides = array<i32>} : memref<1024xf32, #tpu.memory_space<vmem>>, vector<16xf32>,
        tpu.vector_store %arg14[%swap3A_89], %gather3A_88 {strides = array<i32>} : memref<1024xf32, #tpu.memory_space<vmem>>, vector<16xf32>,
      }
      %scan3A_72 = arith.constant 64 : i32
      %add3A_73 = arith.constant 0 : i32
      %add3A_74 = arith.addi %mul3A_34, %add3A_73 : i32
      "tpu.region"() ({
        %run_scoped3A = tpu.sem_alloc : memref<!tpu.dma_semaphore, #tpu.memory_space<semaphore_mem>>
        %dma_start3A = arith.constant 0 : i32
        %dma_start3A_79 = tpu.memref_slice %arg3[%add3A_74, %dma_start3A] : memref<48x1024xf32, #tpu.memory_space<hbm>> -> memref<1x1024xf32, #tpu.memory_space<hbm>>
        %dma_start3A_80 = tpu.memref_squeeze %dma_start3A_79 : memref<1x1024xf32, #tpu.memory_space<hbm>> -> memref<1024xf32, #tpu.memory_space<hbm>>
        %dma_start3A_81 = arith.constant 0 : i32
        %dma_start3A_82 = tpu.memref_slice %arg3[%add3A_74, %dma_start3A_81] : memref<48x1024xf32, #tpu.memory_space<hbm>> -> memref<1x1024xf32, #tpu.memory_space<hbm>>
        %dma_start3A_83 = tpu.memref_squeeze %dma_start3A_82 : memref<1x1024xf32, #tpu.memory_space<hbm>> -> memref<1024xf32, #tpu.memory_space<hbm>>
        tpu.enqueue_dma source(%arg12 : memref<1024xf32, #tpu.memory_space<vmem>>) target(%dma_start3A_83 : memref<1024xf32, #tpu.memory_space<hbm>>) target_semaphore(%run_scoped3A : memref<!tpu.dma_semaphore, #tpu.memory_space<semaphore_mem>>)
        %dma_wait3A = arith.constant 0 : i32
        %dma_wait3A_84 = tpu.memref_slice %arg3[%add3A_74, %dma_wait3A] : memref<48x1024xf32, #tpu.memory_space<hbm>> -> memref<1x1024xf32, #tpu.memory_space<hbm>>
        %dma_wait3A_85 = tpu.memref_squeeze %dma_wait3A_84 : memref<1x1024xf32, #tpu.memory_space<hbm>> -> memref<1024xf32, #tpu.memory_space<hbm>>
        %dma_wait3A_86 = arith.constant 0 : i32
        %dma_wait3A_87 = tpu.memref_slice %arg3[%add3A_74, %dma_wait3A_86] : memref<48x1024xf32, #tpu.memory_space<hbm>> -> memref<1x1024xf32, #tpu.memory_space<hbm>>
        %dma_wait3A_88 = tpu.memref_squeeze %dma_wait3A_87 : memref<1x1024xf32, #tpu.memory_space<hbm>> -> memref<1024xf32, #tpu.memory_space<hbm>>
        tpu.wait_dma2 semaphore(%run_scoped3A : memref<!tpu.dma_semaphore, #tpu.memory_space<semaphore_mem>>) src(%arg12 : memref<1024xf32, #tpu.memory_space<vmem>>) dst(%dma_wait3A_88 : memref<1024xf32, #tpu.memory_space<hbm>>)
        tpu.yield
      }) : () -> ()
      %add3A_75 = arith.constant 1 : i32
      %add3A_76 = arith.addi %mul3A_34, %add3A_75 : i32
      "tpu.region"() ({
        %run_scoped3A = tpu.sem_alloc : memref<!tpu.dma_semaphore, #tpu.memory_space<semaphore_mem>>
        %dma_start3A = arith.constant 0 : i32
        %dma_start3A_79 = tpu.memref_slice %arg3[%add3A_76, %dma_start3A] : memref<48x1024xf32, #tpu.memory_space<hbm>> -> memref<1x1024xf32, #tpu.memory_space<hbm>>
        %dma_start3A_80 = tpu.memref_squeeze %dma_start3A_79 : memref<1x1024xf32, #tpu.memory_space<hbm>> -> memref<1024xf32, #tpu.memory_space<hbm>>
        %dma_start3A_81 = arith.constant 0 : i32
        %dma_start3A_82 = tpu.memref_slice %arg3[%add3A_76, %dma_start3A_81] : memref<48x1024xf32, #tpu.memory_space<hbm>> -> memref<1x1024xf32, #tpu.memory_space<hbm>>
        %dma_start3A_83 = tpu.memref_squeeze %dma_start3A_82 : memref<1x1024xf32, #tpu.memory_space<hbm>> -> memref<1024xf32, #tpu.memory_space<hbm>>
        tpu.enqueue_dma source(%arg13 : memref<1024xf32, #tpu.memory_space<vmem>>) target(%dma_start3A_83 : memref<1024xf32, #tpu.memory_space<hbm>>) target_semaphore(%run_scoped3A : memref<!tpu.dma_semaphore, #tpu.memory_space<semaphore_mem>>)
        %dma_wait3A = arith.constant 0 : i32
        %dma_wait3A_84 = tpu.memref_slice %arg3[%add3A_76, %dma_wait3A] : memref<48x1024xf32, #tpu.memory_space<hbm>> -> memref<1x1024xf32, #tpu.memory_space<hbm>>
        %dma_wait3A_85 = tpu.memref_squeeze %dma_wait3A_84 : memref<1x1024xf32, #tpu.memory_space<hbm>> -> memref<1024xf32, #tpu.memory_space<hbm>>
        %dma_wait3A_86 = arith.constant 0 : i32
        %dma_wait3A_87 = tpu.memref_slice %arg3[%add3A_76, %dma_wait3A_86] : memref<48x1024xf32, #tpu.memory_space<hbm>> -> memref<1x1024xf32, #tpu.memory_space<hbm>>
        %dma_wait3A_88 = tpu.memref_squeeze %dma_wait3A_87 : memref<1x1024xf32, #tpu.memory_space<hbm>> -> memref<1024xf32, #tpu.memory_space<hbm>>
        tpu.wait_dma2 semaphore(%run_scoped3A : memref<!tpu.dma_semaphore, #tpu.memory_space<semaphore_mem>>) src(%arg13 : memref<1024xf32, #tpu.memory_space<vmem>>) dst(%dma_wait3A_88 : memref<1024xf32, #tpu.memory_space<hbm>>)
        tpu.yield
      }) : () -> ()
      %add3A_77 = arith.constant 2 : i32
      %add3A_78 = arith.addi %mul3A_34, %add3A_77 : i32
      "tpu.region"() ({
        %run_scoped3A = tpu.sem_alloc : memref<!tpu.dma_semaphore, #tpu.memory_space<semaphore_mem>>
        %dma_start3A = arith.constant 0 : i32
        %dma_start3A_79 = tpu.memref_slice %arg3[%add3A_78, %dma_start3A] : memref<48x1024xf32, #tpu.memory_space<hbm>> -> memref<1x1024xf32, #tpu.memory_space<hbm>>
        %dma_start3A_80 = tpu.memref_squeeze %dma_start3A_79 : memref<1x1024xf32, #tpu.memory_space<hbm>> -> memref<1024xf32, #tpu.memory_space<hbm>>
        %dma_start3A_81 = arith.constant 0 : i32
        %dma_start3A_82 = tpu.memref_slice %arg3[%add3A_78, %dma_start3A_81] : memref<48x1024xf32, #tpu.memory_space<hbm>> -> memref<1x1024xf32, #tpu.memory_space<hbm>>
        %dma_start3A_83 = tpu.memref_squeeze %dma_start3A_82 : memref<1x1024xf32, #tpu.memory_space<hbm>> -> memref<1024xf32, #tpu.memory_space<hbm>>
        tpu.enqueue_dma source(%arg14 : memref<1024xf32, #tpu.memory_space<vmem>>) target(%dma_start3A_83 : memref<1024xf32, #tpu.memory_space<hbm>>) target_semaphore(%run_scoped3A : memref<!tpu.dma_semaphore, #tpu.memory_space<semaphore_mem>>)
        %dma_wait3A = arith.constant 0 : i32
        %dma_wait3A_84 = tpu.memref_slice %arg3[%add3A_78, %dma_wait3A] : memref<48x1024xf32, #tpu.memory_space<hbm>> -> memref<1x1024xf32, #tpu.memory_space<hbm>>
        %dma_wait3A_85 = tpu.memref_squeeze %dma_wait3A_84 : memref<1x1024xf32, #tpu.memory_space<hbm>> -> memref<1024xf32, #tpu.memory_space<hbm>>
        %dma_wait3A_86 = arith.constant 0 : i32
        %dma_wait3A_87 = tpu.memref_slice %arg3[%add3A_78, %dma_wait3A_86] : memref<48x1024xf32, #tpu.memory_space<hbm>> -> memref<1x1024xf32, #tpu.memory_space<hbm>>
        %dma_wait3A_88 = tpu.memref_squeeze %dma_wait3A_87 : memref<1x1024xf32, #tpu.memory_space<hbm>> -> memref<1024xf32, #tpu.memory_space<hbm>>
        tpu.wait_dma2 semaphore(%run_scoped3A : memref<!tpu.dma_semaphore, #tpu.memory_space<semaphore_mem>>) src(%arg14 : memref<1024xf32, #tpu.memory_space<vmem>>) dst(%dma_wait3A_88 : memref<1024xf32, #tpu.memory_space<hbm>>)
        tpu.yield
      }) : () -> ()
    } else {
    }
    return
  }
}

</mosaic_0001>

<sc_bundles>
// kernel: _fps_sc.3.cloned.1.call-start
scs
__scs_entry_jumppad:
0x0: {  	(pc) =	sbr.rel $0x88, $3  }
0x1: {  	(tag) =	ssettag $0x0;
	lr =	simm.s32 $0x1  }
0x2: {  	[smem:$0x3FA0] =	sst lr;
	_ =	strace $0xD0000000  }
0x3: {  	_ = 	snop  }
0x4: {  	_ = 	snop  }
0x5: {  	_ = 	snop  }
0x6: {  	_ = 	snop  }
0x7: {  	_ = 	snop  }
__scs_overlays_trampoline_lowered:
0x8: {  	[smem:$0x3FAF] =	sst s0  }
0x9: {  	[smem:$0x3FB0] =	sst s1  }
0xa: {  	[smem:$0x3FB1] =	sst s2  }
0xb: {  	[smem:$0x3FB2] =	sst s3  }
0xc: {  	[smem:$0x3FB3] =	sst s4  }
0xd: {  	[smem:$0x3FB4] =	sst s5  }
0xe: {  	[smem:$0x3FB5] =	sst s6  }
0xf: {  	[smem:$0x3FB6] =	sst s7  }
0x10: {  	[smem:$0x3FB7] =	sst s8  }
0x11: {  	[smem:$0x3FB8] =	sst s9;
	s0 =	simm.s32 @!p0 $0x0  }
0x12: {  	s1 =	sld [smem:$0x3F9E];
	s0 =	simm.s32 @p0 $0x1  }
0x13: {  	[smem:$0x3FB9] =	sst s0;
	s0 =	simm.s32 @!p1 $0x0  }
0x14: {  	s2 =	sld [smem:$0x3F9D];
	s0 =	simm.s32 @p1 $0x1  }
0x15: {  	[smem:$0x3FBA] =	sst s0;
	s0 =	simm.s32 @!p2 $0x0  }
0x16: {  	s3 =	sld [smem:$0x3FDB];
	s0 =	simm.s32 @p2 $0x1  }
0x17: {  	s4 =	simm.s32 $0x1BF5;
	[smem:$0x3FBC] =	sst s0  }
0x18: {  	s0 =	sld [smem:$0x3F9F];
	_ =	swait.ge [sflag:s4], $0x0  }
0x19: {  	s7 =	sld [smem:$0x3FA0]  }
0x1a: {  	s8 =	sadd.s32 $0xFFFFE003, lr  }
0x1b: {  	s9 =	sadd.s32 $0xFFFFFEF7, lr;
	s5 =	simm.s32 $0xFFFFFFFF;
	p2 =	slt.u32 s8, $0xFFFFF086  }
0x1c: {  	p1 =	slt.u32 s9, $0xF7A;
	s5 =	simm.s32 @!p2 $0x0  }
0x1d: {  	s5 =	simm.s32 @p1 $0x1;
	p0 =	seq.s32 s7, s2  }
0x1e: {  	s7 =	smul.u32 @!p0 $0xF7A, s2;
	p2 =	seq.s32 @!p0 s5, $0x0  }
0x1f: {  	s9 =	smul.u32 $0xF7A, s1;
	s8 =	simm.s32 @!p0 $0x1BF5;
	p2 =	por !p2, p0  }
0x20: {  	[sflag:s8] =	ssyncset.s32 @!p0 $0xFFFFF086;
	s6 =	sadd.s32 @!p0 s3, s7;
	s7 =	simm.s32 @!p0 $0x108  }
0x21: {  	s3 =	sadd.s32 s3, s9;
	s6 =	sadd.s32 @!p0 $0x88, s6;
	s7 =	simm.s32 @p2 $0x1082  }
0x22: {  	[simem:s7], [sflag:s8] =	dma.local @!p0 [hbm:s6], $0xF7A  }
0x23: {  	s9 =	sor.u32 $0xD0000000, s2;
	s6 =	simm.s32 $0x108;
	_ =	swait.ge @!p0 [sflag:s8], $0x0  }
0x24: {  	s3 =	sadd.s32 $0x88, s3;
	s6 =	simm.s32 @!p1 $0x1082;
	[sflag:s4] =	ssyncset.s32 $0xFFFFF086  }
0x25: {  	[simem:s6], [sflag:s4] =	dma.local [hbm:s3], $0xF7A  }
0x26: {  	[smem:$0x3FA0] =	sst s1;
	(tag) =	ssettag s2;
	_ =	strace s9  }
0x27: {  	s1 =	sld [smem:$0x3FB0]  }
0x28: {  	s2 =	sld [smem:$0x3FB1]  }
0x29: {  	s4 =	sld [smem:$0x3FB3]  }
0x2a: {  	p0 =	seq.s32 s5, $0x0;
	s5 =	sld [smem:$0x3FB4]  }
0x2b: {  	s6 =	sld [smem:$0x3FB5]  }
0x2c: {  	s7 =	sld [smem:$0x3FB6]  }
0x2d: {  	s3 =	simm.s32 $0x108;
	s8 =	sld [smem:$0x3FB7]  }
0x2e: {  	s3 =	simm.s32 @!p0 $0x1082;
	s9 =	sld [smem:$0x3FB8]  }
0x2f: {  	lr =	sadd.s32 s0, s3;
	s0 =	sld [smem:$0x3FAF]  }
0x30: {  	s3 =	sld [smem:$0x3FB2]  }
0x31: {  	[smem:$0x3FBB] =	sst s10  }
0x32: {  	s10 =	sld [smem:$0x3FB9];
	_ =	sdelay $0x3  }
0x33: {  	p0 =	seq.s32 s10, $0x1;
	s10 =	sld [smem:$0x3FBB];
	_ =	sdelay $0x3  }
0x34: {  	[smem:$0x3FBB] =	sst s10  }
0x35: {  	s10 =	sld [smem:$0x3FBA];
	_ =	sdelay $0x3  }
0x36: {  	p1 =	seq.s32 s10, $0x1;
	s10 =	sld [smem:$0x3FBB];
	_ =	sdelay $0x3  }
0x37: {  	[smem:$0x3FBB] =	sst s10  }
0x38: {  	s10 =	sld [smem:$0x3FBC]  }
0x39: {  	_ = 	snop;
	(pc) =	sbr.ind lr, $3  }
0x3a: {  	_ = 	snop  }
0x3b: {  	_ = 	snop  }
0x3c: {  	p2 =	seq.s32 s10, $0x1;
	s10 =	sld [smem:$0x3FBB]  }
0x3d: {  	_ =	shalt  }
0x3e: {  	_ =	shalt  }
0x3f: {  	_ =	shalt  }
0x40: {  	_ =	shalt  }
0x41: {  	_ =	shalt  }
0x42: {  	_ =	shalt  }
0x43: {  	_ =	shalt  }
0x44: {  	_ =	shalt  }
0x45: {  	_ =	shalt  }
0x46: {  	_ =	shalt  }
0x47: {  	_ =	shalt  }
0x48: {  	_ =	shalt  }
0x49: {  	_ =	shalt  }
0x4a: {  	_ =	shalt  }
0x4b: {  	_ =	shalt  }
0x4c: {  	_ =	shalt  }
0x4d: {  	_ =	shalt  }
0x4e: {  	_ =	shalt  }
0x4f: {  	_ =	shalt  }
0x50: {  	_ =	shalt  }
0x51: {  	_ =	shalt  }
0x52: {  	_ =	shalt  }
0x53: {  	_ =	shalt  }
0x54: {  	_ =	shalt  }
0x55: {  	_ =	shalt  }
0x56: {  	_ =	shalt  }
0x57: {  	_ =	shalt  }
0x58: {  	_ =	shalt  }
0x59: {  	_ =	shalt  }
0x5a: {  	_ =	shalt  }
0x5b: {  	_ =	shalt  }
0x5c: {  	_ =	shalt  }
0x5d: {  	_ =	shalt  }
0x5e: {  	_ =	shalt  }
0x5f: {  	_ =	shalt  }
0x60: {  	_ =	shalt  }
0x61: {  	_ =	shalt  }
0x62: {  	_ =	shalt  }
0x63: {  	_ =	shalt  }
0x64: {  	_ =	shalt  }
0x65: {  	_ =	shalt  }
0x66: {  	_ =	shalt  }
0x67: {  	_ =	shalt  }
0x68: {  	_ =	shalt  }
0x69: {  	_ =	shalt  }
0x6a: {  	_ =	shalt  }
0x6b: {  	_ =	shalt  }
0x6c: {  	_ =	shalt  }
0x6d: {  	_ =	shalt  }
0x6e: {  	_ =	shalt  }
0x6f: {  	_ =	shalt  }
0x70: {  	_ =	shalt  }
0x71: {  	_ =	shalt  }
0x72: {  	_ =	shalt  }
0x73: {  	_ =	shalt  }
0x74: {  	_ =	shalt  }
0x75: {  	_ =	shalt  }
0x76: {  	_ =	shalt  }
0x77: {  	_ =	shalt  }
0x78: {  	_ =	shalt  }
0x79: {  	_ =	shalt  }
0x7a: {  	_ =	shalt  }
0x7b: {  	_ =	shalt  }
0x7c: {  	_ =	shalt  }
0x7d: {  	_ =	shalt  }
0x7e: {  	_ =	shalt  }
0x7f: {  	_ =	shalt  }
0x80: {  	_ =	shalt  }
0x81: {  	_ =	shalt  }
0x82: {  	_ =	shalt  }
0x83: {  	_ =	shalt  }
0x84: {  	_ =	shalt  }
0x85: {  	_ =	shalt  }
0x86: {  	_ =	shalt  }
0x87: {  	_ =	shalt  }
.Lfunc_end0:
.L_simem_size_0:
called_computation_lowered:
.L_overlay_start_0:
0x88: {  	s2 =	sld [smem:$0x3FD9]  }
0x89: {  	s3 =	sld [smem:$0x3FFE];
	_ =	sdelay $0x1  }
0x8a: {  	s1 =	srdreg.scid  }
0x8b: {  	s0 =	sand.u32 $0x1, s1  }
0x8c: {  	s18 =	sshll.u32 s0, $0xA;
	s2 =	sadd.s32 s3, s2  }
0x8d: {  	s2 =	sadd.s32 s2, s18  }
0x8e: {  	[smem:$0x3FC7] =	sst s2  }
0x8f: {  	_ = 	snop  }
0x90: {  	s2 =	sld [smem:$0x3FC9]  }
0x91: {  	s19 =	sld [smem:$0x3FD0];
	(tm) =	ssettm $0x1  }
0x92: {  	s4 =	sld [smem:$0x3FFB];
	_ =	sdelay $0x3  }
0x93: {  	_ =	strace s4  }
0x94: {  	s4 =	sld [smem:$0x3FFC];
	_ =	sdelay $0x3  }
0x95: {  	_ =	strace s4  }
0x96: {  	s4 =	sld [smem:$0x3FFD];
	_ =	sdelay $0x3  }
0x97: {  	_ =	strace s4  }
0x98: {  	_ =	strace $0x8FFFFFFF  }
0x99: {  	s20 =	sld [smem:$0x3FDB];
	_ =	sdelay $0x1  }
0x9a: {  	s5 =	simm.s32 $_scs_section_size  }
0x9b: {  	s6 =	simm.s32 $_size__tile_overlayer_lowered;
	s7 =	simm.s32 $_tile_overlayer_lowered  }
0x9c: {  	s23 =	simm.s32 $0x1BFF;
	s22 =	sshll.u32 s7, $0x1;
	s4 =	sadd.s32 s5, s20  }
0x9d: {  	s8 =	simm.s32 $0x0;
	s21 =	sshll.u32 s6, $0x1;
	s6 =	sadd.s32 s22, s4  }
0x9e: {  	[timem:s8], [sflag:s23] =	dma.local [hbm:s6], s21  }
0x9f: {  	_ =	swait.ge [sflag:s23], s21  }
0xa0: {  	s5 =	ssub.s32 $0x0, s21;
	[sflag:s23] =	ssyncset.done $0x0  }
0xa1: {  	[sflag:s23] =	ssyncadd.s32 s5;
	_ =	sdelay $0x1  }
0xa2: {  	s24 =	simm.s32 $0x1B8B  }
0xa3: {  	_ =	swait.ge [sflag:s24], $0x1  }
0xa4: {  	[sflag:s24] =	ssyncset.done $0x0  }
0xa5: {  	s25 =	simm.s32 $0x1B8E;
	[sflag:s24] =	ssyncadd.s32 $0xFFFFFFFF  }
0xa6: {  	s26 =	simm.s32 $execute0_lowered;
	[smem:$0x3FD2] =	sst s25  }
0xa7: {  	s5 =	sshll.u32 s26, $0x1;
	_ =	strace $0x80000046;
	[dreg:$0x1] =	wrdreg $0xFFFFFFFF  }
0xa8: {  	s28 =	simm.s32 $_size_execute0_lowered;
	s4 =	sadd.s32 s4, s5;
	[dreg:$0x0] =	wrdreg $0x0  }
0xa9: {  	s5 =	sshll.u32 s28, $0x1;
	[dreg:$0x2] =	wrdreg s4  }
0xaa: {  	[dreg:$0x3] =	wrdreg s5  }
0xab: {  	[dreg:$0x4] =	wrdreg $0xC0  }
0xac: {  	_ =	task [dreg:s8], $0x5FFFF  }
0xad: {  	[dreg:$0x1] =	wrdreg $0xFFFFFFFF  }
0xae: {  	[dreg:$0x0] =	wrdreg $0x60  }
0xaf: {  	[dreg:$0x2] =	wrdreg s2  }
0xb0: {  	[dreg:$0x3] =	wrdreg s19  }
0xb1: {  	[dreg:$0x4] =	wrdreg $0xB2000  }
0xb2: {  	[dreg:$0x5] =	wrdreg $0x9  }
0xb3: {  	_ =	task.clear_ibuf [dreg:s8], $0x6FFFF;
	_ =	strace $0x90000046  }
0xb4: {  	s29 =	simm.s32 $0x9;
	_ =	strace $0x80000048  }
0xb5: {  	_ =	swait.ge [sflag:s29], $0x1  }
0xb6: {  	[sflag:s29] =	ssyncadd.s32 $0xFFFFFFFF  }
0xb7: {  	_ =	strace $0x90000048  }
0xb8: {  	_ =	sfence  }
0xb9: {  	s30 =	sld [smem:$0x0];
	_ =	sdelay $0x2  }
0xba: {  	s31 =	sshll.u32 s1, $0xD;
	s1 =	sshrl.u32 s1, $0x2  }
0xbb: {  	s3 =	sand.u32 $0x4000, s31;
	s1 =	sadd.s32 s1, s30  }
0xbc: {  	s0 =	sor.u32 s3, s0;
	s1 =	sshll.u32 s1, $0x11  }
0xbd: {  	s0 =	sor.u32 s1, s0  }
0xbe: {  	s0 =	sadd.s32 $0x8F2B, s0  }
0xbf: {  	[sflag:s0] =	ssyncadd.remote.s32 $0x1  }
0xc0: {  	_ =	sfence.sel $0xFFFF  }
0xc1: {  	[dreg:$0x0] =	wrdreg $0xFFFFFFFF;
	(pc) =	sbr.abs _section_cstart, $3  }
0xc2: {  	[dreg:$0x1] =	wrdreg $0xFFFFFFFF  }
0xc3: {  	_ =	task.clear_ibuf [dreg:s8], $0x2FFFF;
	_ =	strace $0x9FFFFFFF  }
0xc4: {  	(tm) =	ssettm $0x7FFFFFFF  }
0xc5: {  	_ =	shalt  }
tec
execute0_lowered:
.L_overlay_start_1:
0x0: {  	(tag) =	ssettag $0x1  }
0x1: {  	s4 =	rddreg [dreg:$0x0];
	s2 =	srdreg.scid  }
0x2: {  	s1 =	rddreg [dreg:$0x1];
	s0 =	stileid.u32  }
0x3: {  	s11 =	rddreg [dreg:$0x2];
	s28 =	simm.s32 $0xB180;
	s29 =	simm.s32 $0xA000  }
0x4: {  	s30 =	simm.s32 $0x0;
	s10 =	sand.u32 $0x1, s2;
	s5 =	sshrl.u32 s0, $0x1  }
0x5: {  	s2 =	simm.s32 $0x0;
	s13 =	sand.u32 $0x1, s0;
	s3 =	sshll.u32 s10, $0x3  }
0x6: {  	[smem:$0x7FF] =	sst s2;
	s22 =	ssub.s32 $0x2, s10;
	s3 =	sor.u32 s5, s3  }
0x7: {  	s20 =	sshll.u32 s13, $0xF;
	s7 =	sshrl.u32 s22, $0x1;
	s6 =	smul.u32 $0x3, s3  }
0x8: {  	s3 =	smul.u32 $0x180, s3;
	s12 =	ssub.s32 s22, s7;
	s22 =	sshll.u32 s10, $0x10  }
0x9: {  	p0 =	sne.s32 s13, $0x0;
	_ =	strace $0x80000047;
	s10 =	sadd.s32 s22, s11  }
0xa: {  	s11 =	sxor.u32 $0x1, s0;
	s14 =	sshrl.u32 s6, $0x3;
	s15 =	sand.u32 $0x380, s3  }
0xb: {  	s24 =	sadd.s32 $0x1, s6;
	s3 =	sshll.u32 s13, $0xC;
	s6 =	sadd.s32 $0x2, s6  }
0xc: {  	s23 =	sshll.u32 s14, $0x10;
	s16 =	sshrl.u32 s24, $0x3;
	s7 =	sshll.u32 s24, $0x7  }
0xd: {  	s17 =	sshrl.u32 s6, $0x3;
	s6 =	sshll.u32 s6, $0x7;
	s8 =	sor.u32 s15, s23  }
0xe: {  	s9 =	sshll.u32 s16, $0x10;
	s18 =	sand.u32 $0x380, s7;
	s25 =	sshll.u32 s17, $0x10  }
0xf: {  	s19 =	sand.u32 $0x380, s6;
	s23 =	sshll.u32 s14, $0xD;
	s24 =	sshll.u32 s16, $0xD  }
0x10: {  	s16 =	simm.s32 $0x80;
	s5 =	sshrl.u32 s8, $0x3;
	s9 =	sor.u32 s18, s9  }
0x11: {  	s7 =	sor.u32 s19, s25;
	s8 =	sor.u32 s20, s8;
	s25 =	sshll.u32 s17, $0xD  }
0x12: {  	s14 =	sor.u32 s18, s24;
	s17 =	simm.s32 $0x400;
	s18 =	simm.s32 $0x1  }
0x13: {  	s24 =	simm.s32 $0xB000;
	s5 =	sadd.s32 s4, s5;
	s26 =	sshrl.u32 s9, $0x3  }
0x14: {  	s31 =	sshrl.u32 s7, $0x3;
	s8 =	sshrl.u32 s8, $0x3;
	s9 =	sor.u32 s20, s9  }
0x15: {  	s20 =	sor.u32 s20, s7;
	[dreg:$0x4] =	wrdreg s5;
	s5 =	sadd.s32 s4, s26  }
0x16: {  	s6 =	sadd.s32 s4, s31;
	s7 =	sadd.s32 s4, s8;
	s9 =	sshrl.u32 s9, $0x3  }
0x17: {  	s21 =	sshrl.u32 s20, $0x3;
	s26 =	sshrl.u32 s14, $0x3;
	s20 =	simm.s32 $0x4000  }
0x18: {  	s8 =	sadd.s32 s4, s9;
	s9 =	sadd.s32 s4, s21;
	s4 =	sor.u32 s15, s23  }
.Ltmp0:
0x19: {  	[dreg:$0x5] =	wrdreg s5;
	s4 =	sshrl.u32 s4, $0x3;
	(pc) =	sbr.rel .LBB2_1-.Ltmp0, $4  }
0x1a: {  	s15 =	sor.u32 s19, s25;
	s19 =	simm.s32 $0x2000;
	s4 =	sadd.s32 s1, s4  }
0x1b: {  	s31 =	sshrl.u32 s15, $0x3;
	[dreg:$0x6] =	wrdreg s4;
	s4 =	sadd.s32 s1, s26  }
0x1c: {  	s25 =	simm.s32 $0xB080;
	s1 =	sadd.s32 s1, s31;
	[dreg:$0x7] =	wrdreg s4  }
0x1d: {  	v0 =	vimm.f32 $+Inf;
	v1 =	vlaneseq.u32;
	s15 =	smax.u32 s12, $0x1;
	s26 =	simm.s32 $0xB100;
	[dreg:$0x8] =	wrdreg s1  }
.LBB2_11:
0x1e: {  	s30 =	sadd.s32 $0x1, s30  }
0x1f: {  	p1 =	sne.s32 s30, s15  }
.Ltmp1:
0x20: {  	_ = 	snop;
	(pc) =	sbr.rel @!p1 .LBB2_12-.Ltmp1, $1  }
0x21: {  	_ =	sdelay $0x3  }
.LBB2_1:
0x22: {  	s1 =	rddreg [dreg:$0x4]  }
0x23: {  	[tilespmem:s2], [sflag:$0x1] =	stream.strided.gather [hbm4b:s1+s16], $0x2000, s17, s16, $0x38;
	[tilespmem:$0xB600] =	vst v63  }
0x24: {  	_ =	swait.ge [sflag:s18], $0x2000  }
0x25: {  	[sflag:s18] =	ssyncset.done $0x0  }
0x26: {  	s21 =	rddreg [dreg:$0x5];
	[sflag:s18] =	ssyncadd.s32 $0xFFFFE000  }
0x27: {  	[tilespmem:s19], [sflag:$0x1] =	stream.strided.gather [hbm4b:s21+s16], $0x2000, s17, s16, $0x38;
	[tilespmem:$0xB600] =	vst v63  }
0x28: {  	_ =	swait.ge [sflag:s18], $0x2000  }
0x29: {  	[sflag:s18] =	ssyncset.done $0x0  }
0x2a: {  	[sflag:s18] =	ssyncadd.s32 $0xFFFFE000  }
0x2b: {  	[tilespmem:s20], [sflag:$0x1] =	stream.strided.gather [hbm4b:s6+s16], $0x2000, s17, s16, $0x38;
	[tilespmem:$0xB600] =	vst v63  }
0x2c: {  	_ =	swait.ge [sflag:s18], $0x2000  }
0x2d: {  	[sflag:s18] =	ssyncset.done $0x0  }
0x2e: {  	s22 =	simm.s32 $0x6000;
	[sflag:s18] =	ssyncadd.s32 $0xFFFFE000  }
0x2f: {  	[tilespmem:s22], [sflag:$0x1] =	stream.strided.gather [hbm4b:s7+s16], $0x1000, s17, s16, $0x38;
	[tilespmem:$0xB600] =	vst v63  }
0x30: {  	_ =	swait.ge [sflag:s18], $0x1000  }
0x31: {  	[sflag:s18] =	ssyncset.done $0x0  }
0x32: {  	s23 =	simm.s32 $0x7000;
	[sflag:s18] =	ssyncadd.s32 $0xFFFFF000  }
0x33: {  	[tilespmem:s23], [sflag:$0x1] =	stream.strided.gather [hbm4b:s8+s16], $0x1000, s17, s16, $0x38;
	[tilespmem:$0xB600] =	vst v63  }
0x34: {  	_ =	swait.ge [sflag:s18], $0x1000  }
0x35: {  	[sflag:s18] =	ssyncset.done $0x0  }
0x36: {  	s31 =	simm.s32 $0x8000;
	[sflag:s18] =	ssyncadd.s32 $0xFFFFF000  }
0x37: {  	[tilespmem:s31], [sflag:$0x1] =	stream.strided.gather [hbm4b:s9+s16], $0x1000, s17, s16, $0x38;
	[tilespmem:$0xB600] =	vst v63  }
0x38: {  	_ =	swait.ge [sflag:s18], $0x1000  }
0x39: {  	[sflag:s18] =	ssyncset.done $0x0  }
0x3a: {  	s4 =	simm.s32 $0x0;
	s1 =	simm.s32 $0x40;
	[sflag:s18] =	ssyncadd.s32 $0xFFFFF000  }
.LBB2_2:
0x3b: {  	p1 =	sne.s32 s1, $0x3FC0;
	[tilespmem:s4+$0x9000] =	vst v0;
	s4 =	smov.u32 s1;
	s1 =	sadd.s32 $0x40, s1  }
.Ltmp2:
0x3c: {  	(pc) =	sbr.rel @p1 .LBB2_2-.Ltmp2, $2  }
0x3d: {  	_ =	sdelay $0x2  }
0x3e: {  	s4 =	sshra.s32 s4, $0x2  }
.Ltmp3:
0x3f: {  	(pc) =	sbr.rel .LBB2_4-.Ltmp3, $3  }
0x40: {  	_ =	sdelay $0x1  }
0x41: {  	[tilespmem:s4+$0x9000] =	vst v0;
	v2 =	vimm.s32 $0x0  }
0x42: {  	s31 =	simm.s32 $0x1;
	[tilespmem:$0xA000] =	vst v2  }
.LBB2_13:
0x43: {  	p1 =	seq.s32 s1, $0x400  }
.Ltmp4:
0x44: {  	_ = 	snop;
	(pc) =	sbr.rel @p1 .LBB2_11-.Ltmp4, $2  }
0x45: {  	_ =	sdelay $0x2  }
0x46: {  	s31 =	smov.u32 s1  }
.LBB2_4:
0x47: {  	_ =	sdelay $0x3  }
0x48: {  	v4 =	vld.idx.msk [tilespmem:v2+s2+$0x0], $0xffff  }
0x49: {  	v3 =	vld.idx.msk [tilespmem:v2+s19+$0x0], $0xffff  }
0x4a: {  	v2 =	vld.idx.msk [tilespmem:v2+s20+$0x0], $0xffff;
	s4 =	simm.s32 $0x8020  }
0x4b: {  	s21 =	simm.s32 $0x7020;
	v5 =	vld [tilespmem:s4+$0xFFFFFFE0]  }
0x4c: {  	s12 =	simm.s32 $0x6020;
	v6 =	vld [tilespmem:s21+$0x0]  }
0x4d: {  	v7 =	vld [tilespmem:s12+$0xFFFFFFE0]  }
0x4e: {  	v8 =	vld [tilespmem:s21+$0xFFFFFFF0]  }
0x4f: {  	v9 =	vld [tilespmem:s21+$0xFFFFFFE0]  }
0x50: {  	v10 =	vld [tilespmem:s4+$0xFFFFFFF0]  }
0x51: {  	v12 =	vld [tilespmem:s12+$0xFFFFFFF0]  }
0x52: {  	v14 =	vld [tilespmem:s4+$0x0]  }
0x53: {  	v15 =	vld [tilespmem:s12+$0x0];
	v5 =	vsub.f32 v5, v2;
	v7 =	vsub.f32 v7, v4  }
0x54: {  	s1 =	simm.s32 $0x9020;
	v11 =	vimm.f32 $-Inf;
	v9 =	vsub.f32 v9, v3;
	v6 =	vsub.f32 v6, v3  }
0x55: {  	v18 =	vld [tilespmem:s1+$0xFFFFFFE0];
	v10 =	vsub.f32 v10, v2;
	v5 =	vmul.f32 v5, v5;
	v7 =	vmul.f32 v7, v7  }
0x56: {  	v13 =	vimm.s32 $0x40000000;
	v19 =	vld [tilespmem:s12+$0x10];
	v12 =	vsub.f32 v12, v4;
	v8 =	vsub.f32 v8, v3  }
0x57: {  	v16 =	vld [tilespmem:s4+$0x10];
	v20 =	vsub.f32 v14, v2;
	v9 =	vmul.f32 v9, v9;
	v7 =	vadd.f32 v5, v7  }
0x58: {  	s12 =	sadd.s32 $0xFFFFFFC0, s3;
	v17 =	vld [tilespmem:s21+$0x10];
	v22 =	vsub.f32 v15, v4;
	v14 =	vmul.f32 v10, v10;
	v12 =	vmul.f32 v12, v12  }
0x59: {  	s22 =	sadd.s32 $0x50, s12;
	v21 =	vmul.f32 v8, v8;
	v10 =	vmul.f32 v6, v6;
	v9 =	vadd.f32 v7, v9  }
0x5a: {  	s13 =	sadd.s32 $0x40, s12;
	v6 =	vor.u32 s22, v1;
	v20 =	vmul.f32 v20, v20;
	v5 =	vld [tilespmem:s1+$0x0];
	v12 =	vadd.f32 v14, v12  }
0x5b: {  	s23 =	simm.s32 $0x0;
	s14 =	simm.s32 $0x8060;
	v14 =	vld [tilespmem:s1+$0xFFFFFFF0];
	v7 =	vor.u32 s13, v1;
	v15 =	vmin.f32 v18, v9;
	v18 =	vsub.f32 v19, v4  }
0x5c: {  	s4 =	simm.s32 $0x6060;
	s22 =	simm.s32 $0x9020;
	s13 =	sadd.s32 $0x70, s12;
	v12 =	vadd.f32 v12, v21;
	v9 =	vld [tilespmem:s1+$0x10];
	v19 =	vmul.f32 v22, v22;
	v8 =	vmax.f32 v11, v15;
	[tilespmem:s1+$0xFFFFFFE0] =	vst v15  }
.LBB2_5:
0x5d: {  	v21 =	vld [tilespmem:s14+$0xFFFFFFE0];
	v17 =	vsub.f32 v17, v3;
	v16 =	vsub.f32 v16, v2;
	v18 =	vmul.f32 v18, v18;
	s21 =	sadd.s32 $0x40, s21;
	s5 =	smov.u32 s23;
	s23 =	sadd.s32 $0x40, s23  }
0x5e: {  	s12 =	sadd.s32 $0x60, s12;
	v23 =	vor.u32 s13, v1;
	v22 =	vld [tilespmem:s21+$0x0];
	p1 =	slt.u32 s23, $0xFC0;
	v19 =	vadd.f32 v20, v19  }
0x5f: {  	v24 =	vor.u32 s12, v1;
	v20 =	vld [tilespmem:s21+$0xFFFFFFF0];
	v16 =	vmul.f32 v16, v16;
	v17 =	vmul.f32 v17, v17  }
0x60: {  	vm0 =	vgt.f32 v15, v11;
	vm1 =	vlt.s32 v13, v7;
	v25 =	vld [tilespmem:s14+$0x0];
	v10 =	vadd.f32 v19, v10  }
0x61: {  	vm2 =	veq.f32 v15, v11;
	v11 =	vsel vm1, v13, v7;
	v19 =	vld [tilespmem:s21+$0xFFFFFFE0];
	v15 =	vadd.f32 v16, v18  }
0x62: {  	v11 =	vsel vm2, v11, v13;
	v16 =	vsub.f32 v21, v2;
	v18 =	vld [tilespmem:s4+$0x0];
	v13 =	vmin.f32 v5, v10  }
0x63: {  	v11 =	vsel vm0, v7, v11;
	v10 =	vld [tilespmem:s4+$0xFFFFFFE0];
	v21 =	vsub.f32 v22, v3;
	[tilespmem:s1+$0x0] =	vst v13;
	v5 =	vadd.f32 v15, v17  }
0x64: {  	s12 =	sadd.s32 s5, s3;
	v12 =	vmin.f32 v14, v12;
	vm0 =	vlt.s32 v11, v6;
	s1 =	sadd.s32 $0x40, s1;
	v15 =	vmul.f32 v16, v16;
	v16 =	vld [tilespmem:s14+$0xFFFFFFF0]  }
0x65: {  	s5 =	sadd.s32 $0x40, s12;
	s13 =	sadd.s32 $0x70, s12;
	v17 =	vsub.f32 v20, v3;
	v14 =	vld [tilespmem:s4+$0xFFFFFFF0];
	v20 =	vsub.f32 v25, v2;
	[tilespmem:s22+$0xFFFFFFF0] =	vst v12;
	v9 =	vmin.f32 v9, v5  }
0x66: {  	v7 =	vor.u32 s5, v1;
	v22 =	vsel vm0, v11, v6;
	v19 =	vsub.f32 v19, v3;
	v5 =	vld [tilespmem:s1+$0x0];
	[tilespmem:s22+$0x10] =	vst v9;
	s22 =	smov.u32 s1  }
0x67: {  	v25 =	vmul.f32 v17, v17;
	v17 =	vmax.f32 v8, v12;
	v26 =	vsub.f32 v18, v4  }
0x68: {  	vm1 =	veq.f32 v12, v8;
	vm0 =	vgt.f32 v12, v8;
	v10 =	vsub.f32 v10, v4  }
0x69: {  	v11 =	vsel vm1, v22, v11;
	vm1 =	veq.f32 v13, v17;
	v8 =	vsub.f32 v16, v2  }
0x6a: {  	v11 =	vsel vm0, v6, v11;
	v12 =	vmul.f32 v19, v19;
	v10 =	vmul.f32 v10, v10  }
0x6b: {  	vm0 =	vlt.s32 v11, v24;
	v6 =	vsub.f32 v14, v4;
	v18 =	vld [tilespmem:s1+$0xFFFFFFE0];
	v8 =	vmul.f32 v8, v8  }
0x6c: {  	v14 =	vadd.f32 v15, v10;
	v10 =	vmul.f32 v21, v21;
	v19 =	vld [tilespmem:s4+$0x10];
	v15 =	vsel vm0, v11, v24  }
0x6d: {  	s5 =	sadd.s32 $0x50, s12;
	v21 =	vmul.f32 v6, v6;
	vm0 =	vgt.f32 v13, v17;
	v13 =	vmax.f32 v17, v13  }
0x6e: {  	v6 =	vor.u32 s5, v1;
	v11 =	vsel vm1, v15, v11;
	v12 =	vadd.f32 v14, v12;
	v16 =	vld [tilespmem:s14+$0x10]  }
.Ltmp5:
0x6f: {  	v14 =	vadd.f32 v8, v21;
	v21 =	vsel vm0, v24, v11;
	vm0 =	veq.f32 v9, v13;
	v17 =	vld [tilespmem:s21+$0x10];
	(pc) =	sbr.rel @p1 .LBB2_5-.Ltmp5, $4  }
0x70: {  	vm1 =	vgt.f32 v9, v13;
	vm2 =	vlt.s32 v21, v23;
	v15 =	vmin.f32 v18, v12  }
0x71: {  	v11 =	vmax.f32 v13, v9;
	[tilespmem:s1+$0xFFFFFFE0] =	vst v15;
	v18 =	vsub.f32 v19, v4;
	v19 =	vsel vm2, v21, v23  }
0x72: {  	v12 =	vadd.f32 v14, v25;
	v8 =	vmax.f32 v11, v15;
	v9 =	vld [tilespmem:s1+$0x10];
	v13 =	vsel vm0, v19, v21  }
0x73: {  	v20 =	vmul.f32 v20, v20;
	s4 =	sadd.s32 $0x40, s4;
	s14 =	sadd.s32 $0x40, s14;
	v19 =	vmul.f32 v26, v26;
	v14 =	vld [tilespmem:s1+$0xFFFFFFF0];
	v13 =	vsel vm1, v23, v13  }
0x74: {  	vm0 =	vlt.s32 v13, v7  }
0x75: {  	v3 =	vsub.f32 v17, v3;
	vm1 =	veq.f32 v15, v11;
	v4 =	vsel vm0, v13, v7  }
0x76: {  	v2 =	vsub.f32 v16, v2;
	vm5 =	vgt.f32 v15, v11;
	v4 =	vsel vm1, v4, v13  }
0x77: {  	v52 =	vmul.f32 v18, v18;
	s4 =	sadd.s32 $0x60, s12;
	v53 =	vadd.f32 v20, v19;
	v4 =	vsel vm5, v7, v4  }
0x78: {  	v54 =	vor.u32 s4, v1;
	v12 =	vmin.f32 v14, v12;
	vm0 =	vlt.s32 v4, v6  }
0x79: {  	v2 =	vmul.f32 v2, v2;
	v55 =	vsel vm0, v4, v6;
	vm6 =	veq.f32 v12, v8  }
0x7a: {  	v10 =	vadd.f32 v53, v10;
	vm7 =	vgt.f32 v12, v8;
	v4 =	vsel vm6, v55, v4  }
0x7b: {  	v3 =	vmul.f32 v3, v3;
	v2 =	vadd.f32 v2, v52;
	v4 =	vsel vm7, v6, v4  }
0x7c: {  	v5 =	vmin.f32 v5, v10;
	v56 =	vmax.f32 v8, v12;
	vm8 =	vlt.s32 v4, v54  }
0x7d: {  	vm9 =	veq.f32 v5, v56;
	v57 =	vsel vm8, v4, v54  }
0x7e: {  	v2 =	vadd.f32 v2, v3;
	vm10 =	vgt.f32 v5, v56;
	v3 =	vsel vm9, v57, v4  }
0x7f: {  	v58 =	vor.u32 s13, v1;
	s14 =	sshll.u32 s31, $0x5;
	v3 =	vsel vm10, v54, v3  }
0x80: {  	s21 =	sand.u32 $0x20, s14;
	[tilespmem:s1+$0x0] =	vst v5;
	v5 =	vmax.f32 v56, v5;
	v2 =	vmin.f32 v9, v2;
	vm0 =	vlt.s32 v3, v58  }
0x81: {  	s4 =	sadd.s32 $0x12C, s21;
	[tilespmem:s22+$0xFFFFFFF0] =	vst v12;
	vm11 =	veq.f32 v2, v5;
	v59 =	vsel vm0, v3, v58  }
0x82: {  	s5 =	sadd.s32 s0, s4;
	[tilespmem:s22+$0x10] =	vst v2;
	vm12 =	vgt.f32 v2, v5;
	v2 =	vmax.f32 v5, v2;
	v3 =	vsel vm11, v59, v3  }
0x83: {  	s5 =	sshll.u32 s5, $0x7;
	[tilespmem:$0xB000] =	vst v2;
	v3 =	vsel vm12, v58, v3  }
0x84: {  	s5 =	sadd.s32 s5, s10;
	s1 =	sadd.s32 $0x13C, s21;
	[tilespmem:$0xB080] =	vst v3  }
0x85: {  	[spmem:s5] =	stream.linear.scatter [tilespmem:s24], [sflag:$0x1], $0x80, $0x38;
	[tilespmem:$0xB600] =	vst v63  }
0x86: {  	s22 =	sadd.s32 s0, s1;
	_ =	swait.ge [sflag:s18], $0x80  }
0x87: {  	s5 =	sshll.u32 s22, $0x7;
	[sflag:s18] =	ssyncset.done $0x0  }
0x88: {  	s5 =	sadd.s32 s5, s10;
	[sflag:s18] =	ssyncadd.s32 $0xFFFFFF80  }
0x89: {  	[spmem:s5] =	stream.linear.scatter [tilespmem:s25], [sflag:$0x1], $0x80, $0x38;
	[tilespmem:$0xB600] =	vst v63  }
0x8a: {  	_ =	swait.ge [sflag:s18], $0x80  }
0x8b: {  	s4 =	sadd.s32 s11, s4;
	[sflag:s18] =	ssyncset.done $0x0  }
0x8c: {  	s4 =	sshll.u32 s4, $0x7;
	[sflag:s18] =	ssyncadd.s32 $0xFFFFFF80  }
0x8d: {  	s4 =	sadd.s32 s4, s10;
	[bflag:$0x0] =	sbarrier.arrive $0xFFFF  }
0x8e: {  	[tilespmem:s26], [sflag:$0x1] =	stream.linear.gather [spmem:s4], $0x80, $0x38;
	[tilespmem:$0xB600] =	vst v63  }
0x8f: {  	s1 =	sadd.s32 s11, s1;
	_ =	swait.ge [sflag:s18], $0x80  }
0x90: {  	s1 =	sshll.u32 s1, $0x7;
	[sflag:s18] =	ssyncset.done $0x0  }
0x91: {  	s1 =	sadd.s32 s1, s10;
	[sflag:s18] =	ssyncadd.s32 $0xFFFFFF80  }
0x92: {  	[tilespmem:s28], [sflag:$0x1] =	stream.linear.gather [spmem:s1], $0x80, $0x38;
	[tilespmem:$0xB600] =	vst v63  }
0x93: {  	_ =	swait.ge [sflag:s18], $0x80  }
0x94: {  	[sflag:s18] =	ssyncset.done $0x0  }
0x95: {  	[sflag:s18] =	ssyncadd.s32 $0xFFFFFF80  }
0x96: {  	v60 =	vld [tilespmem:$0xB100];
	_ =	sdelay $0x4  }
0x97: {  	v5 =	vmax.f32 v2, v60  }
0x98: {  	v61 =	vld [tilespmem:$0xB180];
	(xrf0) =	vmax.scan.msk.f32 $0xffff, v5;
	_ =	sdelay $0x4  }
0x99: {  	vm0 =	vlt.s32 v3, v61  }
0x9a: {  	vm13 =	veq.f32 v60, v2;
	v62 =	vsel vm0, v3, v61;
	v63, _, _ =	vpop (xrf0)  }
0x9b: {  	vm14 =	vgt.f32 v60, v2;
	v2 =	vsel vm13, v62, v3;
	v3 =	vbroadcast v63, $0xF  }
0x9c: {  	v2 =	vsel vm14, v61, v2  }
0x9d: {  	v2 =	vxor.u32 $0x80000000, v2;
	vm15 =	veq.f32 v5, v3  }
0x9e: {  	v2 =	vnsel vm15, $0xC0000000, v2  }
0x9f: {  	(xrf0) =	vmin.scan.msk.u32 $0xffff, v2;
	_ =	sdelay $0x5  }
0xa0: {  	v2, _, _ =	vpop (xrf0)  }
0xa1: {  	(v2sf) =	vpush v2, $0xF;
	_ =	sdelay $0xc  }
.Ltmp6:
0xa2: {  	_ = 	snop;
	(pc) =	sbr.rel @p0 .LBB2_13-.Ltmp6, $4  }
0xa3: {  	_ = 	snop  }
0xa4: {  	s23 =	spop (v2sf)  }
0xa5: {  	s1 =	sxor.u32 $0x80000000, s23  }
0xa6: {  	v2 =	vmov s1;
	s1 =	sadd.s32 $0x1, s31  }
0xa7: {  	v3 =	vmov s31;
	s31 =	sadd.s32 $0x1, s31  }
0xa8: {  	p1 =	seq.s32 s31, $0x400  }
.Ltmp7:
0xa9: {  	_ = 	snop;
	(pc) =	sbr.rel @!p1 .LBB2_4-.Ltmp7, $2  }
0xaa: {  	_ =	sdelay $0x2  }
0xab: {  	[tilespmem:v3+s29+$0x0] =	vst.idx.msk $0x1, v2  }
0xac: {  	s1 =	simm.s32 $0x0  }
0xad: {  	v2 =	vld [tilespmem:s1+$0xA000];
	_ =	sdelay $0x7  }
0xae: {  	v3 =	vld.idx.msk [tilespmem:v2+s2+$0x0], $0xffff;
	_ =	sdelay $0x4  }
0xaf: {  	[tilespmem:s1+$0xA400] =	vst v3  }
0xb0: {  	v3 =	vld.idx.msk [tilespmem:v2+s19+$0x0], $0xffff;
	_ =	sdelay $0x3  }
0xb1: {  	s12 =	simm.s32 $0x10;
	s4 =	simm.s32 $0x80  }
.LBB2_9:
0xb2: {  	p1 =	sne.s32 s4, $0xFC0;
	v4 =	vld [tilespmem:s12+$0xA000];
	[tilespmem:s1+$0xA800] =	vst v3  }
0xb3: {  	v3 =	vld.idx.msk [tilespmem:v2+s20+$0x0], $0xffff;
	_ =	sdelay $0x3  }
0xb4: {  	v2 =	vmov v4;
	_ =	sdelay $0x1  }
0xb5: {  	[tilespmem:s1+$0xAC00] =	vst v3;
	s1 =	smov.u32 s12  }
0xb6: {  	v3 =	vld.idx.msk [tilespmem:v4+s2+$0x0], $0xffff;
	_ =	sdelay $0x5  }
0xb7: {  	[tilespmem:s1+$0xA400] =	vst v3  }
0xb8: {  	v3 =	vld.idx.msk [tilespmem:v4+s19+$0x0], $0xffff  }
.Ltmp8:
0xb9: {  	(pc) =	sbr.rel @p1 .LBB2_9-.Ltmp8, $2  }
0xba: {  	_ =	sdelay $0x2  }
0xbb: {  	s12 =	sshra.s32 s4, $0x2;
	s4 =	sadd.s32 $0x40, s4  }
0xbc: {  	_ =	sdelay $0x1  }
0xbd: {  	v4 =	vld [tilespmem:s12+$0xA000]  }
0xbe: {  	[tilespmem:s1+$0xA800] =	vst v3  }
0xbf: {  	v2 =	vld.idx.msk [tilespmem:v2+s20+$0x0], $0xffff;
	_ =	sdelay $0x4  }
0xc0: {  	[tilespmem:s1+$0xAC00] =	vst v2  }
0xc1: {  	v2 =	vld.idx.msk [tilespmem:v4+s2+$0x0], $0xffff;
	_ =	sdelay $0x4  }
0xc2: {  	[tilespmem:s12+$0xA400] =	vst v2  }
0xc3: {  	v2 =	vld.idx.msk [tilespmem:v4+s19+$0x0], $0xffff;
	_ =	sdelay $0x4  }
0xc4: {  	[tilespmem:s12+$0xA800] =	vst v2  }
0xc5: {  	v2 =	vld.idx.msk [tilespmem:v4+s20+$0x0], $0xffff;
	_ =	sdelay $0x4  }
0xc6: {  	s14 =	rddreg [dreg:$0x6];
	s4 =	simm.s32 $0xA400;
	[tilespmem:s12+$0xAC00] =	vst v2  }
0xc7: {  	[hbm4b:s14+s16] =	stream.strided.scatter [tilespmem:s4], [sflag:$0x1], $0x400, s17, s16, $0x38;
	[tilespmem:$0xB600] =	vst v63  }
0xc8: {  	_ =	swait.ge [sflag:s18], $0x400  }
0xc9: {  	[sflag:s18] =	ssyncset.done $0x0  }
0xca: {  	s22 =	simm.s32 $0xA800;
	s21 =	rddreg [dreg:$0x7];
	[sflag:s18] =	ssyncadd.s32 $0xFFFFFC00  }
0xcb: {  	[hbm4b:s21+s16] =	stream.strided.scatter [tilespmem:s22], [sflag:$0x1], $0x400, s17, s16, $0x38;
	[tilespmem:$0xB600] =	vst v63  }
0xcc: {  	_ =	swait.ge [sflag:s18], $0x400  }
0xcd: {  	s31 =	simm.s32 $0xAC00;
	[sflag:s18] =	ssyncset.done $0x0  }
.Ltmp9:
0xce: {  	s23 =	rddreg [dreg:$0x8];
	[sflag:s18] =	ssyncadd.s32 $0xFFFFFC00;
	(pc) =	sbr.rel .LBB2_11-.Ltmp9, $4  }
0xcf: {  	[hbm4b:s23+s16] =	stream.strided.scatter [tilespmem:s31], [sflag:$0x1], $0x400, s17, s16, $0x38;
	[tilespmem:$0xB600] =	vst v63  }
0xd0: {  	_ =	swait.ge [sflag:s18], $0x400  }
0xd1: {  	[sflag:s18] =	ssyncset.done $0x0  }
0xd2: {  	[sflag:s18] =	ssyncadd.s32 $0xFFFFFC00  }
.LBB2_12:
0xd3: {  	_ =	sfence.sel $0x180000  }
0xd4: {  	[bflag:$0x0] =	sbarrier.arrive $0xFFFF  }
0xd5: {  	_ =	strace $0x90000047  }
0xd6: {  	[bflag:$0x2] =	sbarrier.arrive $0xFFFF  }
0xd7: {  	p0 =	sne.s32 s0, $0x0;
	s0 =	rddreg [dreg:$0x3]  }
0xd8: {  	s0 =	sadd.s32 @!p0 $0x100000, s0  }
0xd9: {  	[sflag:s0] =	ssyncadd.tile.s32 @!p0 $0x1;
	_ =	shalt  }
.Lfunc_end2:
_tile_overlayer_lowered:
.L_overlay_start_2:
0xda: {  	(tag) =	ssettag $0x2  }
0xdb: {  	s0 =	rddreg [dreg:$0x0];
	s2 =	stileid.u32  }
0xdc: {  	s1 =	rddreg [dreg:$0x1];
	p0 =	sne.s32 s2, $0x0  }
0xdd: {  	s3 =	rddreg [dreg:$0x2];
	[bflag:$0x3] =	sbarrier.arrive $0xFFFF;
	s2 =	simm.s32 @!p0 $0x1C01  }
0xde: {  	[timem:s3], [sflag:s2] =	dma.local @!p0 [hbm:s0], s1  }
0xdf: {  	s0 =	simm.s32 @!p0 $0x1  }
0xe0: {  	_ =	swait.ge @!p0 [sflag:s0], s1  }
0xe1: {  	s1 =	ssub.s32 @!p0 $0x0, s1;
	[sflag:s0] =	ssyncset.done @!p0 $0x0  }
0xe2: {  	[sflag:s0] =	ssyncadd.s32 @!p0 s1  }
0xe3: {  	[bflag:$0x3] =	sbarrier.arrive $0xFFFF  }
0xe4: {  	_ =	shalt  }

</sc_bundles>
